<compile_context>
chip_gen: v7x
topology: tpu7x:2x2x1
jax: 0.10.2.dev20260603
libtpu: 0.0.44.dev20260713+nightly
codegen_flags: <defaults>
</compile_context>

<pallas_src>
import jax
import jax.numpy as jnp
from jax import lax
from jax.experimental import pallas as pl
from jax.experimental.pallas import tpu as pltpu
from jax.experimental.pallas import tpu_sc as plsc

N = 10000
E = 320000
D = 128
H = 128
B = 100
NPG = 100

NC = 2
NS = 16
NW = NC * NS
EPW = E // NW
CHUNK = 40
NCHUNK = EPW // CHUNK
ROWS_A = 632
LAST_A = N - (NS - 1) * ROWS_A
NB = 5


def _sc_segment_sum(h, src3, dst3, zeros):
    mesh = plsc.VectorSubcoreMesh(core_axis_name="c", subcore_axis_name="s")

    def body(h_hbm, src_hbm, dst_hbm, zeros_hbm, out_hbm,
             srcb, d0, d1, d2, d3, d4, r0, r1, r2, r3, r4, acc,
             ms0, md0, md1, md2, md3, md4, m0, m1, m2, m3, m4):
        dstb = (d0, d1, d2, d3, d4)
        rows = (r0, r1, r2, r3, r4)
        sems = (m0, m1, m2, m3, m4)
        sem_d = (md0, md1, md2, md3, md4)
        c = lax.axis_index("c")
        s = lax.axis_index("s")
        wid = s * NC + c

        pltpu.async_copy(src_hbm.at[wid], srcb, ms0)
        for q in range(NB):
            pltpu.async_copy(dst_hbm.at[wid, q], dstb[q], sem_d[q])

        @pl.when(s < NS - 1)
        def _():
            pltpu.sync_copy(zeros_hbm.at[pl.ds(s * ROWS_A, ROWS_A)],
                            acc.at[pl.ds(s * ROWS_A, ROWS_A)])

        @pl.when(s == NS - 1)
        def _():
            pltpu.sync_copy(zeros_hbm.at[pl.ds((NS - 1) * ROWS_A, LAST_A)],
                            acc.at[pl.ds((NS - 1) * ROWS_A, LAST_A)])

        pltpu.make_async_copy(src_hbm.at[wid], srcb, ms0).wait()
        plsc.subcore_barrier()

        for q in range(NB):
            pltpu.async_copy(h_hbm.at[srcb.at[pl.ds(q * CHUNK, CHUNK)]],
                             rows[q], sems[q])

        def blk(b, carry):
            for j in range(NB):
                t = b * NB + j
                pltpu.make_async_copy(h_hbm.at[srcb.at[pl.ds(0, CHUNK)]],
                                      rows[j], sems[j]).wait()
                pltpu.make_async_copy(dst_hbm.at[wid, 0], dstb[j],
                                      sem_d[j]).wait()
                pltpu.sync_copy(rows[j], acc.at[dstb[j]], add=True)

                @pl.when(t + NB < NCHUNK)
                def _():
                    pltpu.async_copy(dst_hbm.at[wid, t + NB], dstb[j],
                                     sem_d[j])
                    pltpu.async_copy(
                        h_hbm.at[srcb.at[pl.ds((t + NB) * CHUNK, CHUNK)]],
                        rows[j], sems[j])
            return carry

        lax.fori_loop(0, NCHUNK // NB, blk, 0)
        plsc.subcore_barrier()

        @pl.when(s < NS - 1)
        def _():
            pltpu.sync_copy(acc.at[pl.ds(s * ROWS_A, ROWS_A)],
                            out_hbm.at[c, pl.ds(s * ROWS_A, ROWS_A)])

        @pl.when(s == NS - 1)
        def _():
            pltpu.sync_copy(acc.at[pl.ds((NS - 1) * ROWS_A, LAST_A)],
                            out_hbm.at[c, pl.ds((NS - 1) * ROWS_A, LAST_A)])

    return pl.kernel(
        body,
        out_type=jax.ShapeDtypeStruct((NC, N, D), jnp.float32),
        mesh=mesh,
        scratch_types=(
            [pltpu.VMEM((EPW,), jnp.int32)]
            + [pltpu.VMEM((CHUNK,), jnp.int32) for _ in range(NB)]
            + [pltpu.VMEM((CHUNK, D), jnp.float32) for _ in range(NB)]
            + [pltpu.VMEM_SHARED((N, D), jnp.float32)]
            + [pltpu.SemaphoreType.DMA for _ in range(1 + 2 * NB)]
        ),
    )(h, src3, dst3, zeros)


RB = 2000


def _mlp1(aggp, x, W1a, b1a, W1b, b1b):
    def body(a0, a1, xr, wa, ba, wb, bb, o):
        t = a0[0] + a1[0] + xr[...]
        u = jnp.maximum(jnp.dot(t, wa[...],
                                preferred_element_type=jnp.float32) + ba[...], 0.0)
        o[...] = jnp.maximum(jnp.dot(u, wb[...],
                                     preferred_element_type=jnp.float32) + bb[...], 0.0)

    grid = N // RB
    return pl.pallas_call(
        body,
        grid=(grid,),
        in_specs=[
            pl.BlockSpec((1, RB, D), lambda i: (0, i, 0)),
            pl.BlockSpec((1, RB, D), lambda i: (1, i, 0)),
            pl.BlockSpec((RB, D), lambda i: (i, 0)),
            pl.BlockSpec((D, H), lambda i: (0, 0)),
            pl.BlockSpec((1, H), lambda i: (0, 0)),
            pl.BlockSpec((H, H), lambda i: (0, 0)),
            pl.BlockSpec((1, H), lambda i: (0, 0)),
        ],
        out_specs=pl.BlockSpec((RB, H), lambda i: (i, 0)),
        out_shape=jax.ShapeDtypeStruct((N, H), jnp.float32),
    )(aggp, aggp, x, W1a, b1a.reshape(1, H), W1b, b1b.reshape(1, H))


def _mlp2_actor(aggp, h1, W2a, b2a, W2b, b2b, A1, ba1, A2, ba2, A3, ba3):
    def body(a0, a1, hr, wa, ba, wb, bb, a1w, ab1, a2w, ab2, a3w, ab3,
             emb_o, log_o):
        t = a0[0] + a1[0] + hr[...]
        u = jnp.maximum(jnp.dot(t, wa[...],
                                preferred_element_type=jnp.float32) + ba[...], 0.0)
        e = jnp.maximum(jnp.dot(u, wb[...],
                                preferred_element_type=jnp.float32) + bb[...], 0.0)
        emb_o[...] = e
        a = jnp.tanh(jnp.dot(e, a1w[...],
                             preferred_element_type=jnp.float32) + ab1[...])
        a = jnp.tanh(jnp.dot(a, a2w[...],
                             preferred_element_type=jnp.float32) + ab2[...])
        log_o[...] = jnp.dot(a, a3w[...],
                             preferred_element_type=jnp.float32) + ab3[...]

    grid = N // RB
    full = lambda i: (0, 0)
    return pl.pallas_call(
        body,
        grid=(grid,),
        in_specs=[
            pl.BlockSpec((1, RB, D), lambda i: (0, i, 0)),
            pl.BlockSpec((1, RB, D), lambda i: (1, i, 0)),
            pl.BlockSpec((RB, D), lambda i: (i, 0)),
            pl.BlockSpec((H, H), full),
            pl.BlockSpec((1, H), full),
            pl.BlockSpec((H, H), full),
            pl.BlockSpec((1, H), full),
            pl.BlockSpec((H, H), full),
            pl.BlockSpec((1, H), full),
            pl.BlockSpec((H, H), full),
            pl.BlockSpec((1, H), full),
            pl.BlockSpec((H, 1), full),
            pl.BlockSpec((1, 1), full),
        ],
        out_specs=[
            pl.BlockSpec((RB, H), lambda i: (i, 0)),
            pl.BlockSpec((RB, 1), lambda i: (i, 0)),
        ],
        out_shape=[
            jax.ShapeDtypeStruct((N, H), jnp.float32),
            jax.ShapeDtypeStruct((N, 1), jnp.float32),
        ],
    )(aggp, aggp, h1, W2a, b2a.reshape(1, H), W2b, b2b.reshape(1, H),
      A1, ba1.reshape(1, H), A2, ba2.reshape(1, H), A3, ba3.reshape(1, 1))


def _decode(logits, mask):
    def body(l_ref, m_ref, lp_ref, act_ref):
        l = l_ref[...]
        mx = jnp.max(l, axis=1, keepdims=True)
        lse = jnp.log(jnp.sum(jnp.exp(l - mx), axis=1, keepdims=True)) + mx
        lp = l - lse
        lp_ref[...] = lp
        probs = jnp.exp(lp)
        masked = jnp.where(m_ref[...] > 0, probs, -jnp.inf)
        rmax = jnp.max(masked, axis=1, keepdims=True)
        idx = lax.broadcasted_iota(jnp.int32, (B, NPG), 1)
        cand = jnp.where(masked == rmax, idx, NPG)
        act_ref[...] = jnp.min(cand, axis=1, keepdims=True)

    lp, act = pl.pallas_call(
        body,
        out_shape=[
            jax.ShapeDtypeStruct((B, NPG), jnp.float32),
            jax.ShapeDtypeStruct((B, 1), jnp.int32),
        ],
    )(logits, mask)
    return lp, act[:, 0]


def kernel(x, edge_index, mask, W1a, b1a, W1b, b1b, W2a, b2a, W2b, b2b,
           A1, ba1, A2, ba2, A3, ba3):
    src3 = edge_index[0].reshape(NW, EPW)
    dst3 = edge_index[1].reshape(NW, NCHUNK, CHUNK)
    zeros = jnp.zeros((N, D), jnp.float32)
    aggp1 = _sc_segment_sum(x, src3, dst3, zeros)
    h1 = _mlp1(aggp1, x, W1a, b1a, W1b, b1b)
    aggp2 = _sc_segment_sum(h1, src3, dst3, zeros)
    emb, logits = _mlp2_actor(aggp2, h1, W2a, b2a, W2b, b2b,
                              A1, ba1, A2, ba2, A3, ba3)
    log_p, actions = _decode(logits.reshape(B, NPG), mask)
    return (log_p, actions, emb)

# --- scband reference (transcript-rebuilt; emitter-appended) ---
"""Pipeline reference for scband-decoder-83485574299708 (READ-ONLY COPY).

The authoritative reference and input builder live on the scoring server;
editing this copy changes nothing except your own understanding.
"""

import jax, jax.numpy as jnp
import numpy as np

N = 10000
E = 320000
D = 128
H = 128
B = 100
NPG = 100


def setup_inputs(seed: int = 0) -> dict:
    key = jax.random.key(seed)
    ks = jax.random.split(key, 20)
    inp = {}
    inp['x'] = jax.random.normal(ks[0], (N, D), dtype=jnp.float32)
    inp['edge_index'] = jax.random.randint(ks[1], (2, E), 0, N, dtype=jnp.int32)
    inp['mask'] = jnp.ones((B, NPG), dtype=jnp.float32)
    s = 0.05
    # GIN layer 1 MLP (2 linear layers, num_mlp_layers=2)
    inp['W1a'] = s * jax.random.normal(ks[2], (D, H), dtype=jnp.float32)
    inp['b1a'] = jnp.zeros((H,), dtype=jnp.float32)
    inp['W1b'] = s * jax.random.normal(ks[3], (H, H), dtype=jnp.float32)
    inp['b1b'] = jnp.zeros((H,), dtype=jnp.float32)
    # GIN layer 2 MLP
    inp['W2a'] = s * jax.random.normal(ks[4], (H, H), dtype=jnp.float32)
    inp['b2a'] = jnp.zeros((H,), dtype=jnp.float32)
    inp['W2b'] = s * jax.random.normal(ks[5], (H, H), dtype=jnp.float32)
    inp['b2b'] = jnp.zeros((H,), dtype=jnp.float32)
    # actor MLP: hidden -> [hidden, hidden] tanh -> 1 identity
    inp['A1'] = s * jax.random.normal(ks[6], (H, H), dtype=jnp.float32)
    inp['ba1'] = jnp.zeros((H,), dtype=jnp.float32)
    inp['A2'] = s * jax.random.normal(ks[7], (H, H), dtype=jnp.float32)
    inp['ba2'] = jnp.zeros((H,), dtype=jnp.float32)
    inp['A3'] = s * jax.random.normal(ks[8], (H, 1), dtype=jnp.float32)
    inp['ba3'] = jnp.zeros((1,), dtype=jnp.float32)
    return inp


def _gin_mlp(h, Wa, ba, Wb, bb):
    h = jax.nn.relu(h @ Wa + ba)
    h = jax.nn.relu(h @ Wb + bb)
    return h


def reference(x, edge_index, mask, W1a, b1a, W1b, b1b, W2a, b2a, W2b, b2b, A1, ba1, A2, ba2, A3, ba3):
    src = edge_index[0]
    dst = edge_index[1]
    # GraphCNN: 2 GIN layers, sum neighbor pooling, learn_eps=False (eps=0)
    h = x
    agg = jax.ops.segment_sum(h[src], dst, num_segments=N)
    h = _gin_mlp(agg + h, W1a, b1a, W1b, b1b)
    agg = jax.ops.segment_sum(h[src], dst, num_segments=N)
    h = _gin_mlp(agg + h, W2a, b2a, W2b, b2b)
    embeddings = h
    # actor MLP: tanh hidden activations, identity output
    a = jnp.tanh(embeddings @ A1 + ba1)
    a = jnp.tanh(a @ A2 + ba2)
    logits = (a @ A3 + ba3).reshape(B, NPG)
    log_p = jax.nn.log_softmax(logits, axis=1)
    probs = jnp.exp(log_p)
    # decode_probs with mask (greedy decode for determinism)
    masked = jnp.where(mask > 0, probs, -jnp.inf)
    actions = jnp.argmax(masked, axis=1)
    return (log_p, actions, embeddings)

if __name__ == "__main__":
    import jax
    _d = setup_inputs()
    print(jax.jit(kernel)(*tuple(_d.values())))

</pallas_src>

<mosaic_0001>
#map = affine_map<(d0, d1) -> (0, 0)>
#map1 = affine_map<(d0, d1) -> (0, 0, 0)>
module attributes {stable_mosaic.version = 14 : i64} {
  func.func @body(%arg0: i32, %arg1: i32, %arg2: memref<10000x128xf32, #tpu.memory_space<hbm>>, %arg3: memref<32x10000xi32, #tpu.memory_space<hbm>>, %arg4: memref<32x250x40xi32, #tpu.memory_space<hbm>>, %arg5: memref<10000x128xf32, #tpu.memory_space<hbm>>, %arg6: memref<2x10000x128xf32, #tpu.memory_space<hbm>>, %arg7: memref<10000xi32, #tpu.memory_space<vmem>>, %arg8: memref<40xi32, #tpu.memory_space<vmem>>, %arg9: memref<40xi32, #tpu.memory_space<vmem>>, %arg10: memref<40xi32, #tpu.memory_space<vmem>>, %arg11: memref<40xi32, #tpu.memory_space<vmem>>, %arg12: memref<40xi32, #tpu.memory_space<vmem>>, %arg13: memref<40x128xf32, #tpu.memory_space<vmem>>, %arg14: memref<40x128xf32, #tpu.memory_space<vmem>>, %arg15: memref<40x128xf32, #tpu.memory_space<vmem>>, %arg16: memref<40x128xf32, #tpu.memory_space<vmem>>, %arg17: memref<40x128xf32, #tpu.memory_space<vmem>>, %arg18: memref<10000x128xf32, #tpu.memory_space<vmem_shared>>, %arg19: memref<!tpu.dma_semaphore, #tpu.memory_space<semaphore_mem>>, %arg20: memref<!tpu.dma_semaphore, #tpu.memory_space<semaphore_mem>>, %arg21: memref<!tpu.dma_semaphore, #tpu.memory_space<semaphore_mem>>, %arg22: memref<!tpu.dma_semaphore, #tpu.memory_space<semaphore_mem>>, %arg23: memref<!tpu.dma_semaphore, #tpu.memory_space<semaphore_mem>>, %arg24: memref<!tpu.dma_semaphore, #tpu.memory_space<semaphore_mem>>, %arg25: memref<!tpu.dma_semaphore, #tpu.memory_space<semaphore_mem>>, %arg26: memref<!tpu.dma_semaphore, #tpu.memory_space<semaphore_mem>>, %arg27: memref<!tpu.dma_semaphore, #tpu.memory_space<semaphore_mem>>, %arg28: memref<!tpu.dma_semaphore, #tpu.memory_space<semaphore_mem>>, %arg29: memref<!tpu.dma_semaphore, #tpu.memory_space<semaphore_mem>>) attributes {dimension_semantics = [#tpu.dimension_semantics<core_parallel>, #tpu.dimension_semantics<subcore_parallel>], iteration_bounds = array<i64: 2, 16>, scalar_prefetch = 0 : i64, scratch_operands = 23 : i64, tpu.core_type = #tpu.core_type<sc_vector_subcore>, window_params = [{transform_indices = #map}, {transform_indices = #map}, {transform_indices = #map1}, {transform_indices = #map}, {transform_indices = #map1}]} {
    %mul3A = arith.constant 2 : i32
    %mul3A_0 = arith.muli %arg1, %mul3A : i32
    %add3A = arith.addi %mul3A_0, %arg0 : i32
    %dma_start3A = arith.constant 0 : i32
    %dma_start3A_1 = tpu.memref_slice %arg3[%add3A, %dma_start3A] : memref<32x10000xi32, #tpu.memory_space<hbm>> -> memref<1x10000xi32, #tpu.memory_space<hbm>>
    %dma_start3A_2 = tpu.memref_squeeze %dma_start3A_1 : memref<1x10000xi32, #tpu.memory_space<hbm>> -> memref<10000xi32, #tpu.memory_space<hbm>>
    %dma_start3A_3 = arith.constant 0 : i32
    %dma_start3A_4 = tpu.memref_slice %arg3[%add3A, %dma_start3A_3] : memref<32x10000xi32, #tpu.memory_space<hbm>> -> memref<1x10000xi32, #tpu.memory_space<hbm>>
    %dma_start3A_5 = tpu.memref_squeeze %dma_start3A_4 : memref<1x10000xi32, #tpu.memory_space<hbm>> -> memref<10000xi32, #tpu.memory_space<hbm>>
    tpu.enqueue_dma source(%dma_start3A_5 : memref<10000xi32, #tpu.memory_space<hbm>>) target(%arg7 : memref<10000xi32, #tpu.memory_space<vmem>>) target_semaphore(%arg19 : memref<!tpu.dma_semaphore, #tpu.memory_space<semaphore_mem>>)
    %dma_start3A_6 = arith.constant 0 : i32
    %dma_start3A_7 = arith.constant 0 : i32
    %dma_start3A_8 = tpu.memref_slice %arg4[%add3A, %dma_start3A_6, %dma_start3A_7] : memref<32x250x40xi32, #tpu.memory_space<hbm>> -> memref<1x1x40xi32, #tpu.memory_space<hbm>>
    %dma_start3A_9 = tpu.memref_squeeze %dma_start3A_8 : memref<1x1x40xi32, #tpu.memory_space<hbm>> -> memref<40xi32, #tpu.memory_space<hbm>>
    %dma_start3A_10 = arith.constant 0 : i32
    %dma_start3A_11 = tpu.memref_slice %arg4[%add3A, %dma_start3A_6, %dma_start3A_10] : memref<32x250x40xi32, #tpu.memory_space<hbm>> -> memref<1x1x40xi32, #tpu.memory_space<hbm>>
    %dma_start3A_12 = tpu.memref_squeeze %dma_start3A_11 : memref<1x1x40xi32, #tpu.memory_space<hbm>> -> memref<40xi32, #tpu.memory_space<hbm>>
    tpu.enqueue_dma source(%dma_start3A_12 : memref<40xi32, #tpu.memory_space<hbm>>) target(%arg8 : memref<40xi32, #tpu.memory_space<vmem>>) target_semaphore(%arg20 : memref<!tpu.dma_semaphore, #tpu.memory_space<semaphore_mem>>)
    %dma_start3A_13 = arith.constant 1 : i32
    %dma_start3A_14 = arith.constant 0 : i32
    %dma_start3A_15 = tpu.memref_slice %arg4[%add3A, %dma_start3A_13, %dma_start3A_14] : memref<32x250x40xi32, #tpu.memory_space<hbm>> -> memref<1x1x40xi32, #tpu.memory_space<hbm>>
    %dma_start3A_16 = tpu.memref_squeeze %dma_start3A_15 : memref<1x1x40xi32, #tpu.memory_space<hbm>> -> memref<40xi32, #tpu.memory_space<hbm>>
    %dma_start3A_17 = arith.constant 0 : i32
    %dma_start3A_18 = tpu.memref_slice %arg4[%add3A, %dma_start3A_13, %dma_start3A_17] : memref<32x250x40xi32, #tpu.memory_space<hbm>> -> memref<1x1x40xi32, #tpu.memory_space<hbm>>
    %dma_start3A_19 = tpu.memref_squeeze %dma_start3A_18 : memref<1x1x40xi32, #tpu.memory_space<hbm>> -> memref<40xi32, #tpu.memory_space<hbm>>
    tpu.enqueue_dma source(%dma_start3A_19 : memref<40xi32, #tpu.memory_space<hbm>>) target(%arg9 : memref<40xi32, #tpu.memory_space<vmem>>) target_semaphore(%arg21 : memref<!tpu.dma_semaphore, #tpu.memory_space<semaphore_mem>>)
    %dma_start3A_20 = arith.constant 2 : i32
    %dma_start3A_21 = arith.constant 0 : i32
    %dma_start3A_22 = tpu.memref_slice %arg4[%add3A, %dma_start3A_20, %dma_start3A_21] : memref<32x250x40xi32, #tpu.memory_space<hbm>> -> memref<1x1x40xi32, #tpu.memory_space<hbm>>
    %dma_start3A_23 = tpu.memref_squeeze %dma_start3A_22 : memref<1x1x40xi32, #tpu.memory_space<hbm>> -> memref<40xi32, #tpu.memory_space<hbm>>
    %dma_start3A_24 = arith.constant 0 : i32
    %dma_start3A_25 = tpu.memref_slice %arg4[%add3A, %dma_start3A_20, %dma_start3A_24] : memref<32x250x40xi32, #tpu.memory_space<hbm>> -> memref<1x1x40xi32, #tpu.memory_space<hbm>>
    %dma_start3A_26 = tpu.memref_squeeze %dma_start3A_25 : memref<1x1x40xi32, #tpu.memory_space<hbm>> -> memref<40xi32, #tpu.memory_space<hbm>>
    tpu.enqueue_dma source(%dma_start3A_26 : memref<40xi32, #tpu.memory_space<hbm>>) target(%arg10 : memref<40xi32, #tpu.memory_space<vmem>>) target_semaphore(%arg22 : memref<!tpu.dma_semaphore, #tpu.memory_space<semaphore_mem>>)
    %dma_start3A_27 = arith.constant 3 : i32
    %dma_start3A_28 = arith.constant 0 : i32
    %dma_start3A_29 = tpu.memref_slice %arg4[%add3A, %dma_start3A_27, %dma_start3A_28] : memref<32x250x40xi32, #tpu.memory_space<hbm>> -> memref<1x1x40xi32, #tpu.memory_space<hbm>>
    %dma_start3A_30 = tpu.memref_squeeze %dma_start3A_29 : memref<1x1x40xi32, #tpu.memory_space<hbm>> -> memref<40xi32, #tpu.memory_space<hbm>>
    %dma_start3A_31 = arith.constant 0 : i32
    %dma_start3A_32 = tpu.memref_slice %arg4[%add3A, %dma_start3A_27, %dma_start3A_31] : memref<32x250x40xi32, #tpu.memory_space<hbm>> -> memref<1x1x40xi32, #tpu.memory_space<hbm>>
    %dma_start3A_33 = tpu.memref_squeeze %dma_start3A_32 : memref<1x1x40xi32, #tpu.memory_space<hbm>> -> memref<40xi32, #tpu.memory_space<hbm>>
    tpu.enqueue_dma source(%dma_start3A_33 : memref<40xi32, #tpu.memory_space<hbm>>) target(%arg11 : memref<40xi32, #tpu.memory_space<vmem>>) target_semaphore(%arg23 : memref<!tpu.dma_semaphore, #tpu.memory_space<semaphore_mem>>)
    %dma_start3A_34 = arith.constant 4 : i32
    %dma_start3A_35 = arith.constant 0 : i32
    %dma_start3A_36 = tpu.memref_slice %arg4[%add3A, %dma_start3A_34, %dma_start3A_35] : memref<32x250x40xi32, #tpu.memory_space<hbm>> -> memref<1x1x40xi32, #tpu.memory_space<hbm>>
    %dma_start3A_37 = tpu.memref_squeeze %dma_start3A_36 : memref<1x1x40xi32, #tpu.memory_space<hbm>> -> memref<40xi32, #tpu.memory_space<hbm>>
    %dma_start3A_38 = arith.constant 0 : i32
    %dma_start3A_39 = tpu.memref_slice %arg4[%add3A, %dma_start3A_34, %dma_start3A_38] : memref<32x250x40xi32, #tpu.memory_space<hbm>> -> memref<1x1x40xi32, #tpu.memory_space<hbm>>
    %dma_start3A_40 = tpu.memref_squeeze %dma_start3A_39 : memref<1x1x40xi32, #tpu.memory_space<hbm>> -> memref<40xi32, #tpu.memory_space<hbm>>
    tpu.enqueue_dma source(%dma_start3A_40 : memref<40xi32, #tpu.memory_space<hbm>>) target(%arg12 : memref<40xi32, #tpu.memory_space<vmem>>) target_semaphore(%arg24 : memref<!tpu.dma_semaphore, #tpu.memory_space<semaphore_mem>>)
    %lt3A = arith.constant 15 : i32
    %lt3A_41 = arith.cmpi slt, %arg1, %lt3A : i32
    %convert_element_type3A = arith.extui %lt3A_41 : i1 to i32
    %cond3A = arith.constant 0 : i32
    %cond3A_42 = arith.cmpi ne, %convert_element_type3A, %cond3A : i32
    scf.if %cond3A_42 {
      %mul3A_93 = arith.constant 632 : i32
      %mul3A_94 = arith.muli %arg1, %mul3A_93 : i32
      %mul3A_95 = arith.constant 632 : i32
      %mul3A_96 = arith.muli %arg1, %mul3A_95 : i32
      "tpu.region"() ({
        %run_scoped3A = tpu.sem_alloc : memref<!tpu.dma_semaphore, #tpu.memory_space<semaphore_mem>>
        %dma_start3A_97 = arith.constant 0 : i32
        %dma_start3A_98 = tpu.memref_slice %arg18[%mul3A_96, %dma_start3A_97] : memref<10000x128xf32, #tpu.memory_space<vmem_shared>> -> memref<632x128xf32, #tpu.memory_space<vmem_shared>>
        %dma_start3A_99 = arith.constant 0 : i32
        %dma_start3A_100 = tpu.memref_slice %arg5[%mul3A_94, %dma_start3A_99] : memref<10000x128xf32, #tpu.memory_space<hbm>> -> memref<632x128xf32, #tpu.memory_space<hbm>>
        tpu.enqueue_dma source(%dma_start3A_100 : memref<632x128xf32, #tpu.memory_space<hbm>>) target(%dma_start3A_98 : memref<632x128xf32, #tpu.memory_space<vmem_shared>>) target_semaphore(%run_scoped3A : memref<!tpu.dma_semaphore, #tpu.memory_space<semaphore_mem>>)
        %dma_wait3A_101 = arith.constant 0 : i32
        %dma_wait3A_102 = tpu.memref_slice %arg18[%mul3A_96, %dma_wait3A_101] : memref<10000x128xf32, #tpu.memory_space<vmem_shared>> -> memref<632x128xf32, #tpu.memory_space<vmem_shared>>
        %dma_wait3A_103 = arith.constant 0 : i32
        %dma_wait3A_104 = tpu.memref_slice %arg5[%mul3A_94, %dma_wait3A_103] : memref<10000x128xf32, #tpu.memory_space<hbm>> -> memref<632x128xf32, #tpu.memory_space<hbm>>
        tpu.wait_dma2 semaphore(%run_scoped3A : memref<!tpu.dma_semaphore, #tpu.memory_space<semaphore_mem>>) src(%dma_wait3A_104 : memref<632x128xf32, #tpu.memory_space<hbm>>) dst(%dma_wait3A_102 : memref<632x128xf32, #tpu.memory_space<vmem_shared>>)
        tpu.yield
      }) : () -> ()
    } else {
    }
    %eq3A = arith.constant 15 : i32
    %eq3A_43 = arith.cmpi eq, %arg1, %eq3A : i32
    %convert_element_type3A_44 = arith.extui %eq3A_43 : i1 to i32
    %cond3A_45 = arith.constant 0 : i32
    %cond3A_46 = arith.cmpi ne, %convert_element_type3A_44, %cond3A_45 : i32
    scf.if %cond3A_46 {
      "tpu.region"() ({
        %run_scoped3A = tpu.sem_alloc : memref<!tpu.dma_semaphore, #tpu.memory_space<semaphore_mem>>
        %dma_start3A_93 = arith.constant 9480 : i32
        %dma_start3A_94 = arith.constant 0 : i32
        %dma_start3A_95 = tpu.memref_slice %arg18[%dma_start3A_93, %dma_start3A_94] : memref<10000x128xf32, #tpu.memory_space<vmem_shared>> -> memref<520x128xf32, #tpu.memory_space<vmem_shared>>
        %dma_start3A_96 = arith.constant 9480 : i32
        %dma_start3A_97 = arith.constant 0 : i32
        %dma_start3A_98 = tpu.memref_slice %arg5[%dma_start3A_96, %dma_start3A_97] : memref<10000x128xf32, #tpu.memory_space<hbm>> -> memref<520x128xf32, #tpu.memory_space<hbm>>
        tpu.enqueue_dma source(%dma_start3A_98 : memref<520x128xf32, #tpu.memory_space<hbm>>) target(%dma_start3A_95 : memref<520x128xf32, #tpu.memory_space<vmem_shared>>) target_semaphore(%run_scoped3A : memref<!tpu.dma_semaphore, #tpu.memory_space<semaphore_mem>>)
        %dma_wait3A_99 = arith.constant 9480 : i32
        %dma_wait3A_100 = arith.constant 0 : i32
        %dma_wait3A_101 = tpu.memref_slice %arg18[%dma_wait3A_99, %dma_wait3A_100] : memref<10000x128xf32, #tpu.memory_space<vmem_shared>> -> memref<520x128xf32, #tpu.memory_space<vmem_shared>>
        %dma_wait3A_102 = arith.constant 9480 : i32
        %dma_wait3A_103 = arith.constant 0 : i32
        %dma_wait3A_104 = tpu.memref_slice %arg5[%dma_wait3A_102, %dma_wait3A_103] : memref<10000x128xf32, #tpu.memory_space<hbm>> -> memref<520x128xf32, #tpu.memory_space<hbm>>
        tpu.wait_dma2 semaphore(%run_scoped3A : memref<!tpu.dma_semaphore, #tpu.memory_space<semaphore_mem>>) src(%dma_wait3A_104 : memref<520x128xf32, #tpu.memory_space<hbm>>) dst(%dma_wait3A_101 : memref<520x128xf32, #tpu.memory_space<vmem_shared>>)
        tpu.yield
      }) : () -> ()
    } else {
    }
    %dma_wait3A = arith.constant 0 : i32
    %dma_wait3A_47 = tpu.memref_slice %arg3[%add3A, %dma_wait3A] : memref<32x10000xi32, #tpu.memory_space<hbm>> -> memref<1x10000xi32, #tpu.memory_space<hbm>>
    %dma_wait3A_48 = tpu.memref_squeeze %dma_wait3A_47 : memref<1x10000xi32, #tpu.memory_space<hbm>> -> memref<10000xi32, #tpu.memory_space<hbm>>
    %dma_wait3A_49 = arith.constant 0 : i32
    %dma_wait3A_50 = tpu.memref_slice %arg3[%add3A, %dma_wait3A_49] : memref<32x10000xi32, #tpu.memory_space<hbm>> -> memref<1x10000xi32, #tpu.memory_space<hbm>>
    %dma_wait3A_51 = tpu.memref_squeeze %dma_wait3A_50 : memref<1x10000xi32, #tpu.memory_space<hbm>> -> memref<10000xi32, #tpu.memory_space<hbm>>
    tpu.wait_dma2 semaphore(%arg19 : memref<!tpu.dma_semaphore, #tpu.memory_space<semaphore_mem>>) src(%dma_wait3A_51 : memref<10000xi32, #tpu.memory_space<hbm>>) dst(%arg7 : memref<10000xi32, #tpu.memory_space<vmem>>)
    %barrier3A = arith.constant 0 : index
    tpu.barrier barrier_id(%barrier3A)
    %dma_start3A_52 = arith.constant 0 : i32
    %dma_start3A_53 = tpu.memref_slice %arg7[%dma_start3A_52] : memref<10000xi32, #tpu.memory_space<vmem>> -> memref<40xi32, #tpu.memory_space<vmem>>
    %dma_start3A_54 = arith.constant 0 : i32
    %dma_start3A_55 = arith.constant 0 : i32
    %dma_start3A_56 = tpu.memref_slice %arg2[%dma_start3A_54, %dma_start3A_55] : memref<10000x128xf32, #tpu.memory_space<hbm>> -> memref<10000x128xf32, #tpu.memory_space<hbm>>
    tpu.enqueue_indirect_dma source(%dma_start3A_56 : memref<10000x128xf32, #tpu.memory_space<hbm>>) target(%arg13 : memref<40x128xf32, #tpu.memory_space<vmem>>) offsets(%dma_start3A_53 : memref<40xi32, #tpu.memory_space<vmem>>) semaphore(%arg25 : memref<!tpu.dma_semaphore, #tpu.memory_space<semaphore_mem>>)
    %dma_start3A_57 = arith.constant 40 : i32
    %dma_start3A_58 = tpu.memref_slice %arg7[%dma_start3A_57] : memref<10000xi32, #tpu.memory_space<vmem>> -> memref<40xi32, #tpu.memory_space<vmem>>
    %dma_start3A_59 = arith.constant 0 : i32
    %dma_start3A_60 = arith.constant 0 : i32
    %dma_start3A_61 = tpu.memref_slice %arg2[%dma_start3A_59, %dma_start3A_60] : memref<10000x128xf32, #tpu.memory_space<hbm>> -> memref<10000x128xf32, #tpu.memory_space<hbm>>
    tpu.enqueue_indirect_dma source(%dma_start3A_61 : memref<10000x128xf32, #tpu.memory_space<hbm>>) target(%arg14 : memref<40x128xf32, #tpu.memory_space<vmem>>) offsets(%dma_start3A_58 : memref<40xi32, #tpu.memory_space<vmem>>) semaphore(%arg26 : memref<!tpu.dma_semaphore, #tpu.memory_space<semaphore_mem>>)
    %dma_start3A_62 = arith.constant 80 : i32
    %dma_start3A_63 = tpu.memref_slice %arg7[%dma_start3A_62] : memref<10000xi32, #tpu.memory_space<vmem>> -> memref<40xi32, #tpu.memory_space<vmem>>
    %dma_start3A_64 = arith.constant 0 : i32
    %dma_start3A_65 = arith.constant 0 : i32
    %dma_start3A_66 = tpu.memref_slice %arg2[%dma_start3A_64, %dma_start3A_65] : memref<10000x128xf32, #tpu.memory_space<hbm>> -> memref<10000x128xf32, #tpu.memory_space<hbm>>
    tpu.enqueue_indirect_dma source(%dma_start3A_66 : memref<10000x128xf32, #tpu.memory_space<hbm>>) target(%arg15 : memref<40x128xf32, #tpu.memory_space<vmem>>) offsets(%dma_start3A_63 : memref<40xi32, #tpu.memory_space<vmem>>) semaphore(%arg27 : memref<!tpu.dma_semaphore, #tpu.memory_space<semaphore_mem>>)
    %dma_start3A_67 = arith.constant 120 : i32
    %dma_start3A_68 = tpu.memref_slice %arg7[%dma_start3A_67] : memref<10000xi32, #tpu.memory_space<vmem>> -> memref<40xi32, #tpu.memory_space<vmem>>
    %dma_start3A_69 = arith.constant 0 : i32
    %dma_start3A_70 = arith.constant 0 : i32
    %dma_start3A_71 = tpu.memref_slice %arg2[%dma_start3A_69, %dma_start3A_70] : memref<10000x128xf32, #tpu.memory_space<hbm>> -> memref<10000x128xf32, #tpu.memory_space<hbm>>
    tpu.enqueue_indirect_dma source(%dma_start3A_71 : memref<10000x128xf32, #tpu.memory_space<hbm>>) target(%arg16 : memref<40x128xf32, #tpu.memory_space<vmem>>) offsets(%dma_start3A_68 : memref<40xi32, #tpu.memory_space<vmem>>) semaphore(%arg28 : memref<!tpu.dma_semaphore, #tpu.memory_space<semaphore_mem>>)
    %dma_start3A_72 = arith.constant 160 : i32
    %dma_start3A_73 = tpu.memref_slice %arg7[%dma_start3A_72] : memref<10000xi32, #tpu.memory_space<vmem>> -> memref<40xi32, #tpu.memory_space<vmem>>
    %dma_start3A_74 = arith.constant 0 : i32
    %dma_start3A_75 = arith.constant 0 : i32
    %dma_start3A_76 = tpu.memref_slice %arg2[%dma_start3A_74, %dma_start3A_75] : memref<10000x128xf32, #tpu.memory_space<hbm>> -> memref<10000x128xf32, #tpu.memory_space<hbm>>
    tpu.enqueue_indirect_dma source(%dma_start3A_76 : memref<10000x128xf32, #tpu.memory_space<hbm>>) target(%arg17 : memref<40x128xf32, #tpu.memory_space<vmem>>) offsets(%dma_start3A_73 : memref<40xi32, #tpu.memory_space<vmem>>) semaphore(%arg29 : memref<!tpu.dma_semaphore, #tpu.memory_space<semaphore_mem>>)
    %scan3A = arith.constant 0 : i32
    %scan3A_77 = arith.constant 0 : i32
    %scan3A_78 = arith.constant 50 : i32
    %scan3A_79 = arith.addi %scan3A_77, %scan3A_78 : i32
    %scan3A_80 = arith.constant 1 : i32
    scf.for %scan3A_93 = %scan3A_77 to %scan3A_79 step %scan3A_80  : i32 {
      %mul3A_94 = arith.constant 5 : i32
      %mul3A_95 = arith.muli %scan3A_93, %mul3A_94 : i32
      %add3A_96 = arith.constant 0 : i32
      %add3A_97 = arith.addi %mul3A_95, %add3A_96 : i32
      %dma_wait3A_98 = arith.constant 0 : i32
      %dma_wait3A_99 = tpu.memref_slice %arg7[%dma_wait3A_98] : memref<10000xi32, #tpu.memory_space<vmem>> -> memref<40xi32, #tpu.memory_space<vmem>>
      %dma_wait3A_100 = arith.constant 0 : i32
      %dma_wait3A_101 = arith.constant 0 : i32
      %dma_wait3A_102 = tpu.memref_slice %arg2[%dma_wait3A_100, %dma_wait3A_101] : memref<10000x128xf32, #tpu.memory_space<hbm>> -> memref<10000x128xf32, #tpu.memory_space<hbm>>
      tpu.wait_indirect_dma semaphore(%arg25 : memref<!tpu.dma_semaphore, #tpu.memory_space<semaphore_mem>>) src(%dma_wait3A_102 : memref<10000x128xf32, #tpu.memory_space<hbm>>) dst(%arg13 : memref<40x128xf32, #tpu.memory_space<vmem>>)
      %dma_wait3A_103 = arith.constant 0 : i32
      %dma_wait3A_104 = arith.constant 0 : i32
      %dma_wait3A_105 = tpu.memref_slice %arg4[%add3A, %dma_wait3A_103, %dma_wait3A_104] : memref<32x250x40xi32, #tpu.memory_space<hbm>> -> memref<1x1x40xi32, #tpu.memory_space<hbm>>
      %dma_wait3A_106 = tpu.memref_squeeze %dma_wait3A_105 : memref<1x1x40xi32, #tpu.memory_space<hbm>> -> memref<40xi32, #tpu.memory_space<hbm>>
      %dma_wait3A_107 = arith.constant 0 : i32
      %dma_wait3A_108 = tpu.memref_slice %arg4[%add3A, %dma_wait3A_103, %dma_wait3A_107] : memref<32x250x40xi32, #tpu.memory_space<hbm>> -> memref<1x1x40xi32, #tpu.memory_space<hbm>>
      %dma_wait3A_109 = tpu.memref_squeeze %dma_wait3A_108 : memref<1x1x40xi32, #tpu.memory_space<hbm>> -> memref<40xi32, #tpu.memory_space<hbm>>
      tpu.wait_dma2 semaphore(%arg20 : memref<!tpu.dma_semaphore, #tpu.memory_space<semaphore_mem>>) src(%dma_wait3A_109 : memref<40xi32, #tpu.memory_space<hbm>>) dst(%arg8 : memref<40xi32, #tpu.memory_space<vmem>>)
      "tpu.region"() ({
        %run_scoped3A = tpu.sem_alloc : memref<!tpu.dma_semaphore, #tpu.memory_space<semaphore_mem>>
        %dma_start3A_209 = arith.constant 0 : i32
        %dma_start3A_210 = arith.constant 0 : i32
        %dma_start3A_211 = tpu.memref_slice %arg18[%dma_start3A_209, %dma_start3A_210] : memref<10000x128xf32, #tpu.memory_space<vmem_shared>> -> memref<10000x128xf32, #tpu.memory_space<vmem_shared>>
        tpu.enqueue_indirect_dma source(%arg13 : memref<40x128xf32, #tpu.memory_space<vmem>>) target(%dma_start3A_211 : memref<10000x128xf32, #tpu.memory_space<vmem_shared>>) offsets(%arg8 : memref<40xi32, #tpu.memory_space<vmem>>) semaphore(%run_scoped3A : memref<!tpu.dma_semaphore, #tpu.memory_space<semaphore_mem>>) {add = true}
        %dma_wait3A_212 = arith.constant 0 : i32
        %dma_wait3A_213 = arith.constant 0 : i32
        %dma_wait3A_214 = tpu.memref_slice %arg18[%dma_wait3A_212, %dma_wait3A_213] : memref<10000x128xf32, #tpu.memory_space<vmem_shared>> -> memref<10000x128xf32, #tpu.memory_space<vmem_shared>>
        tpu.wait_indirect_dma semaphore(%run_scoped3A : memref<!tpu.dma_semaphore, #tpu.memory_space<semaphore_mem>>) src(%arg13 : memref<40x128xf32, #tpu.memory_space<vmem>>) dst(%dma_wait3A_214 : memref<10000x128xf32, #tpu.memory_space<vmem_shared>>)
        tpu.yield
      }) : () -> ()
      %add3A_110 = arith.constant 5 : i32
      %add3A_111 = arith.addi %add3A_97, %add3A_110 : i32
      %lt3A_112 = arith.constant 250 : i32
      %lt3A_113 = arith.cmpi slt, %add3A_111, %lt3A_112 : i32
      %convert_element_type3A_114 = arith.extui %lt3A_113 : i1 to i32
      %cond3A_115 = arith.constant 0 : i32
      %cond3A_116 = arith.cmpi ne, %convert_element_type3A_114, %cond3A_115 : i32
      scf.if %cond3A_116 {
        %add3A_209 = arith.constant 5 : i32
        %add3A_210 = arith.addi %add3A_97, %add3A_209 : i32
        %dma_start3A_211 = arith.constant 0 : i32
        %dma_start3A_212 = tpu.memref_slice %arg4[%add3A, %add3A_210, %dma_start3A_211] : memref<32x250x40xi32, #tpu.memory_space<hbm>> -> memref<1x1x40xi32, #tpu.memory_space<hbm>>
        %dma_start3A_213 = tpu.memref_squeeze %dma_start3A_212 : memref<1x1x40xi32, #tpu.memory_space<hbm>> -> memref<40xi32, #tpu.memory_space<hbm>>
        %dma_start3A_214 = arith.constant 0 : i32
        %dma_start3A_215 = tpu.memref_slice %arg4[%add3A, %add3A_210, %dma_start3A_214] : memref<32x250x40xi32, #tpu.memory_space<hbm>> -> memref<1x1x40xi32, #tpu.memory_space<hbm>>
        %dma_start3A_216 = tpu.memref_squeeze %dma_start3A_215 : memref<1x1x40xi32, #tpu.memory_space<hbm>> -> memref<40xi32, #tpu.memory_space<hbm>>
        tpu.enqueue_dma source(%dma_start3A_216 : memref<40xi32, #tpu.memory_space<hbm>>) target(%arg8 : memref<40xi32, #tpu.memory_space<vmem>>) target_semaphore(%arg20 : memref<!tpu.dma_semaphore, #tpu.memory_space<semaphore_mem>>)
        %add3A_217 = arith.constant 5 : i32
        %add3A_218 = arith.addi %add3A_97, %add3A_217 : i32
        %mul3A_219 = arith.constant 40 : i32
        %mul3A_220 = arith.muli %add3A_218, %mul3A_219 : i32
        %dma_start3A_221 = tpu.memref_slice %arg7[%mul3A_220] : memref<10000xi32, #tpu.memory_space<vmem>> -> memref<40xi32, #tpu.memory_space<vmem>>
        %dma_start3A_222 = arith.constant 0 : i32
        %dma_start3A_223 = arith.constant 0 : i32
        %dma_start3A_224 = tpu.memref_slice %arg2[%dma_start3A_222, %dma_start3A_223] : memref<10000x128xf32, #tpu.memory_space<hbm>> -> memref<10000x128xf32, #tpu.memory_space<hbm>>
        tpu.enqueue_indirect_dma source(%dma_start3A_224 : memref<10000x128xf32, #tpu.memory_space<hbm>>) target(%arg13 : memref<40x128xf32, #tpu.memory_space<vmem>>) offsets(%dma_start3A_221 : memref<40xi32, #tpu.memory_space<vmem>>) semaphore(%arg25 : memref<!tpu.dma_semaphore, #tpu.memory_space<semaphore_mem>>)
      } else {
      }
      %mul3A_117 = arith.constant 5 : i32
      %mul3A_118 = arith.muli %scan3A_93, %mul3A_117 : i32
      %add3A_119 = arith.constant 1 : i32
      %add3A_120 = arith.addi %mul3A_118, %add3A_119 : i32
      %dma_wait3A_121 = arith.constant 0 : i32
      %dma_wait3A_122 = tpu.memref_slice %arg7[%dma_wait3A_121] : memref<10000xi32, #tpu.memory_space<vmem>> -> memref<40xi32, #tpu.memory_space<vmem>>
      %dma_wait3A_123 = arith.constant 0 : i32
      %dma_wait3A_124 = arith.constant 0 : i32
      %dma_wait3A_125 = tpu.memref_slice %arg2[%dma_wait3A_123, %dma_wait3A_124] : memref<10000x128xf32, #tpu.memory_space<hbm>> -> memref<10000x128xf32, #tpu.memory_space<hbm>>
      tpu.wait_indirect_dma semaphore(%arg26 : memref<!tpu.dma_semaphore, #tpu.memory_space<semaphore_mem>>) src(%dma_wait3A_125 : memref<10000x128xf32, #tpu.memory_space<hbm>>) dst(%arg14 : memref<40x128xf32, #tpu.memory_space<vmem>>)
      %dma_wait3A_126 = arith.constant 0 : i32
      %dma_wait3A_127 = arith.constant 0 : i32
      %dma_wait3A_128 = tpu.memref_slice %arg4[%add3A, %dma_wait3A_126, %dma_wait3A_127] : memref<32x250x40xi32, #tpu.memory_space<hbm>> -> memref<1x1x40xi32, #tpu.memory_space<hbm>>
      %dma_wait3A_129 = tpu.memref_squeeze %dma_wait3A_128 : memref<1x1x40xi32, #tpu.memory_space<hbm>> -> memref<40xi32, #tpu.memory_space<hbm>>
      %dma_wait3A_130 = arith.constant 0 : i32
      %dma_wait3A_131 = tpu.memref_slice %arg4[%add3A, %dma_wait3A_126, %dma_wait3A_130] : memref<32x250x40xi32, #tpu.memory_space<hbm>> -> memref<1x1x40xi32, #tpu.memory_space<hbm>>
      %dma_wait3A_132 = tpu.memref_squeeze %dma_wait3A_131 : memref<1x1x40xi32, #tpu.memory_space<hbm>> -> memref<40xi32, #tpu.memory_space<hbm>>
      tpu.wait_dma2 semaphore(%arg21 : memref<!tpu.dma_semaphore, #tpu.memory_space<semaphore_mem>>) src(%dma_wait3A_132 : memref<40xi32, #tpu.memory_space<hbm>>) dst(%arg9 : memref<40xi32, #tpu.memory_space<vmem>>)
      "tpu.region"() ({
        %run_scoped3A = tpu.sem_alloc : memref<!tpu.dma_semaphore, #tpu.memory_space<semaphore_mem>>
        %dma_start3A_209 = arith.constant 0 : i32
        %dma_start3A_210 = arith.constant 0 : i32
        %dma_start3A_211 = tpu.memref_slice %arg18[%dma_start3A_209, %dma_start3A_210] : memref<10000x128xf32, #tpu.memory_space<vmem_shared>> -> memref<10000x128xf32, #tpu.memory_space<vmem_shared>>
        tpu.enqueue_indirect_dma source(%arg14 : memref<40x128xf32, #tpu.memory_space<vmem>>) target(%dma_start3A_211 : memref<10000x128xf32, #tpu.memory_space<vmem_shared>>) offsets(%arg9 : memref<40xi32, #tpu.memory_space<vmem>>) semaphore(%run_scoped3A : memref<!tpu.dma_semaphore, #tpu.memory_space<semaphore_mem>>) {add = true}
        %dma_wait3A_212 = arith.constant 0 : i32
        %dma_wait3A_213 = arith.constant 0 : i32
        %dma_wait3A_214 = tpu.memref_slice %arg18[%dma_wait3A_212, %dma_wait3A_213] : memref<10000x128xf32, #tpu.memory_space<vmem_shared>> -> memref<10000x128xf32, #tpu.memory_space<vmem_shared>>
        tpu.wait_indirect_dma semaphore(%run_scoped3A : memref<!tpu.dma_semaphore, #tpu.memory_space<semaphore_mem>>) src(%arg14 : memref<40x128xf32, #tpu.memory_space<vmem>>) dst(%dma_wait3A_214 : memref<10000x128xf32, #tpu.memory_space<vmem_shared>>)
        tpu.yield
      }) : () -> ()
      %add3A_133 = arith.constant 5 : i32
      %add3A_134 = arith.addi %add3A_120, %add3A_133 : i32
      %lt3A_135 = arith.constant 250 : i32
      %lt3A_136 = arith.cmpi slt, %add3A_134, %lt3A_135 : i32
      %convert_element_type3A_137 = arith.extui %lt3A_136 : i1 to i32
      %cond3A_138 = arith.constant 0 : i32
      %cond3A_139 = arith.cmpi ne, %convert_element_type3A_137, %cond3A_138 : i32
      scf.if %cond3A_139 {
        %add3A_209 = arith.constant 5 : i32
        %add3A_210 = arith.addi %add3A_120, %add3A_209 : i32
        %dma_start3A_211 = arith.constant 0 : i32
        %dma_start3A_212 = tpu.memref_slice %arg4[%add3A, %add3A_210, %dma_start3A_211] : memref<32x250x40xi32, #tpu.memory_space<hbm>> -> memref<1x1x40xi32, #tpu.memory_space<hbm>>
        %dma_start3A_213 = tpu.memref_squeeze %dma_start3A_212 : memref<1x1x40xi32, #tpu.memory_space<hbm>> -> memref<40xi32, #tpu.memory_space<hbm>>
        %dma_start3A_214 = arith.constant 0 : i32
        %dma_start3A_215 = tpu.memref_slice %arg4[%add3A, %add3A_210, %dma_start3A_214] : memref<32x250x40xi32, #tpu.memory_space<hbm>> -> memref<1x1x40xi32, #tpu.memory_space<hbm>>
        %dma_start3A_216 = tpu.memref_squeeze %dma_start3A_215 : memref<1x1x40xi32, #tpu.memory_space<hbm>> -> memref<40xi32, #tpu.memory_space<hbm>>
        tpu.enqueue_dma source(%dma_start3A_216 : memref<40xi32, #tpu.memory_space<hbm>>) target(%arg9 : memref<40xi32, #tpu.memory_space<vmem>>) target_semaphore(%arg21 : memref<!tpu.dma_semaphore, #tpu.memory_space<semaphore_mem>>)
        %add3A_217 = arith.constant 5 : i32
        %add3A_218 = arith.addi %add3A_120, %add3A_217 : i32
        %mul3A_219 = arith.constant 40 : i32
        %mul3A_220 = arith.muli %add3A_218, %mul3A_219 : i32
        %dma_start3A_221 = tpu.memref_slice %arg7[%mul3A_220] : memref<10000xi32, #tpu.memory_space<vmem>> -> memref<40xi32, #tpu.memory_space<vmem>>
        %dma_start3A_222 = arith.constant 0 : i32
        %dma_start3A_223 = arith.constant 0 : i32
        %dma_start3A_224 = tpu.memref_slice %arg2[%dma_start3A_222, %dma_start3A_223] : memref<10000x128xf32, #tpu.memory_space<hbm>> -> memref<10000x128xf32, #tpu.memory_space<hbm>>
        tpu.enqueue_indirect_dma source(%dma_start3A_224 : memref<10000x128xf32, #tpu.memory_space<hbm>>) target(%arg14 : memref<40x128xf32, #tpu.memory_space<vmem>>) offsets(%dma_start3A_221 : memref<40xi32, #tpu.memory_space<vmem>>) semaphore(%arg26 : memref<!tpu.dma_semaphore, #tpu.memory_space<semaphore_mem>>)
      } else {
      }
      %mul3A_140 = arith.constant 5 : i32
      %mul3A_141 = arith.muli %scan3A_93, %mul3A_140 : i32
      %add3A_142 = arith.constant 2 : i32
      %add3A_143 = arith.addi %mul3A_141, %add3A_142 : i32
      %dma_wait3A_144 = arith.constant 0 : i32
      %dma_wait3A_145 = tpu.memref_slice %arg7[%dma_wait3A_144] : memref<10000xi32, #tpu.memory_space<vmem>> -> memref<40xi32, #tpu.memory_space<vmem>>
      %dma_wait3A_146 = arith.constant 0 : i32
      %dma_wait3A_147 = arith.constant 0 : i32
      %dma_wait3A_148 = tpu.memref_slice %arg2[%dma_wait3A_146, %dma_wait3A_147] : memref<10000x128xf32, #tpu.memory_space<hbm>> -> memref<10000x128xf32, #tpu.memory_space<hbm>>
      tpu.wait_indirect_dma semaphore(%arg27 : memref<!tpu.dma_semaphore, #tpu.memory_space<semaphore_mem>>) src(%dma_wait3A_148 : memref<10000x128xf32, #tpu.memory_space<hbm>>) dst(%arg15 : memref<40x128xf32, #tpu.memory_space<vmem>>)
      %dma_wait3A_149 = arith.constant 0 : i32
      %dma_wait3A_150 = arith.constant 0 : i32
      %dma_wait3A_151 = tpu.memref_slice %arg4[%add3A, %dma_wait3A_149, %dma_wait3A_150] : memref<32x250x40xi32, #tpu.memory_space<hbm>> -> memref<1x1x40xi32, #tpu.memory_space<hbm>>
      %dma_wait3A_152 = tpu.memref_squeeze %dma_wait3A_151 : memref<1x1x40xi32, #tpu.memory_space<hbm>> -> memref<40xi32, #tpu.memory_space<hbm>>
      %dma_wait3A_153 = arith.constant 0 : i32
      %dma_wait3A_154 = tpu.memref_slice %arg4[%add3A, %dma_wait3A_149, %dma_wait3A_153] : memref<32x250x40xi32, #tpu.memory_space<hbm>> -> memref<1x1x40xi32, #tpu.memory_space<hbm>>
      %dma_wait3A_155 = tpu.memref_squeeze %dma_wait3A_154 : memref<1x1x40xi32, #tpu.memory_space<hbm>> -> memref<40xi32, #tpu.memory_space<hbm>>
      tpu.wait_dma2 semaphore(%arg22 : memref<!tpu.dma_semaphore, #tpu.memory_space<semaphore_mem>>) src(%dma_wait3A_155 : memref<40xi32, #tpu.memory_space<hbm>>) dst(%arg10 : memref<40xi32, #tpu.memory_space<vmem>>)
      "tpu.region"() ({
        %run_scoped3A = tpu.sem_alloc : memref<!tpu.dma_semaphore, #tpu.memory_space<semaphore_mem>>
        %dma_start3A_209 = arith.constant 0 : i32
        %dma_start3A_210 = arith.constant 0 : i32
        %dma_start3A_211 = tpu.memref_slice %arg18[%dma_start3A_209, %dma_start3A_210] : memref<10000x128xf32, #tpu.memory_space<vmem_shared>> -> memref<10000x128xf32, #tpu.memory_space<vmem_shared>>
        tpu.enqueue_indirect_dma source(%arg15 : memref<40x128xf32, #tpu.memory_space<vmem>>) target(%dma_start3A_211 : memref<10000x128xf32, #tpu.memory_space<vmem_shared>>) offsets(%arg10 : memref<40xi32, #tpu.memory_space<vmem>>) semaphore(%run_scoped3A : memref<!tpu.dma_semaphore, #tpu.memory_space<semaphore_mem>>) {add = true}
        %dma_wait3A_212 = arith.constant 0 : i32
        %dma_wait3A_213 = arith.constant 0 : i32
        %dma_wait3A_214 = tpu.memref_slice %arg18[%dma_wait3A_212, %dma_wait3A_213] : memref<10000x128xf32, #tpu.memory_space<vmem_shared>> -> memref<10000x128xf32, #tpu.memory_space<vmem_shared>>
        tpu.wait_indirect_dma semaphore(%run_scoped3A : memref<!tpu.dma_semaphore, #tpu.memory_space<semaphore_mem>>) src(%arg15 : memref<40x128xf32, #tpu.memory_space<vmem>>) dst(%dma_wait3A_214 : memref<10000x128xf32, #tpu.memory_space<vmem_shared>>)
        tpu.yield
      }) : () -> ()
      %add3A_156 = arith.constant 5 : i32
      %add3A_157 = arith.addi %add3A_143, %add3A_156 : i32
      %lt3A_158 = arith.constant 250 : i32
      %lt3A_159 = arith.cmpi slt, %add3A_157, %lt3A_158 : i32
      %convert_element_type3A_160 = arith.extui %lt3A_159 : i1 to i32
      %cond3A_161 = arith.constant 0 : i32
      %cond3A_162 = arith.cmpi ne, %convert_element_type3A_160, %cond3A_161 : i32
      scf.if %cond3A_162 {
        %add3A_209 = arith.constant 5 : i32
        %add3A_210 = arith.addi %add3A_143, %add3A_209 : i32
        %dma_start3A_211 = arith.constant 0 : i32
        %dma_start3A_212 = tpu.memref_slice %arg4[%add3A, %add3A_210, %dma_start3A_211] : memref<32x250x40xi32, #tpu.memory_space<hbm>> -> memref<1x1x40xi32, #tpu.memory_space<hbm>>
        %dma_start3A_213 = tpu.memref_squeeze %dma_start3A_212 : memref<1x1x40xi32, #tpu.memory_space<hbm>> -> memref<40xi32, #tpu.memory_space<hbm>>
        %dma_start3A_214 = arith.constant 0 : i32
        %dma_start3A_215 = tpu.memref_slice %arg4[%add3A, %add3A_210, %dma_start3A_214] : memref<32x250x40xi32, #tpu.memory_space<hbm>> -> memref<1x1x40xi32, #tpu.memory_space<hbm>>
        %dma_start3A_216 = tpu.memref_squeeze %dma_start3A_215 : memref<1x1x40xi32, #tpu.memory_space<hbm>> -> memref<40xi32, #tpu.memory_space<hbm>>
        tpu.enqueue_dma source(%dma_start3A_216 : memref<40xi32, #tpu.memory_space<hbm>>) target(%arg10 : memref<40xi32, #tpu.memory_space<vmem>>) target_semaphore(%arg22 : memref<!tpu.dma_semaphore, #tpu.memory_space<semaphore_mem>>)
        %add3A_217 = arith.constant 5 : i32
        %add3A_218 = arith.addi %add3A_143, %add3A_217 : i32
        %mul3A_219 = arith.constant 40 : i32
        %mul3A_220 = arith.muli %add3A_218, %mul3A_219 : i32
        %dma_start3A_221 = tpu.memref_slice %arg7[%mul3A_220] : memref<10000xi32, #tpu.memory_space<vmem>> -> memref<40xi32, #tpu.memory_space<vmem>>
        %dma_start3A_222 = arith.constant 0 : i32
        %dma_start3A_223 = arith.constant 0 : i32
        %dma_start3A_224 = tpu.memref_slice %arg2[%dma_start3A_222, %dma_start3A_223] : memref<10000x128xf32, #tpu.memory_space<hbm>> -> memref<10000x128xf32, #tpu.memory_space<hbm>>
        tpu.enqueue_indirect_dma source(%dma_start3A_224 : memref<10000x128xf32, #tpu.memory_space<hbm>>) target(%arg15 : memref<40x128xf32, #tpu.memory_space<vmem>>) offsets(%dma_start3A_221 : memref<40xi32, #tpu.memory_space<vmem>>) semaphore(%arg27 : memref<!tpu.dma_semaphore, #tpu.memory_space<semaphore_mem>>)
      } else {
      }
      %mul3A_163 = arith.constant 5 : i32
      %mul3A_164 = arith.muli %scan3A_93, %mul3A_163 : i32
      %add3A_165 = arith.constant 3 : i32
      %add3A_166 = arith.addi %mul3A_164, %add3A_165 : i32
      %dma_wait3A_167 = arith.constant 0 : i32
      %dma_wait3A_168 = tpu.memref_slice %arg7[%dma_wait3A_167] : memref<10000xi32, #tpu.memory_space<vmem>> -> memref<40xi32, #tpu.memory_space<vmem>>
      %dma_wait3A_169 = arith.constant 0 : i32
      %dma_wait3A_170 = arith.constant 0 : i32
      %dma_wait3A_171 = tpu.memref_slice %arg2[%dma_wait3A_169, %dma_wait3A_170] : memref<10000x128xf32, #tpu.memory_space<hbm>> -> memref<10000x128xf32, #tpu.memory_space<hbm>>
      tpu.wait_indirect_dma semaphore(%arg28 : memref<!tpu.dma_semaphore, #tpu.memory_space<semaphore_mem>>) src(%dma_wait3A_171 : memref<10000x128xf32, #tpu.memory_space<hbm>>) dst(%arg16 : memref<40x128xf32, #tpu.memory_space<vmem>>)
      %dma_wait3A_172 = arith.constant 0 : i32
      %dma_wait3A_173 = arith.constant 0 : i32
      %dma_wait3A_174 = tpu.memref_slice %arg4[%add3A, %dma_wait3A_172, %dma_wait3A_173] : memref<32x250x40xi32, #tpu.memory_space<hbm>> -> memref<1x1x40xi32, #tpu.memory_space<hbm>>
      %dma_wait3A_175 = tpu.memref_squeeze %dma_wait3A_174 : memref<1x1x40xi32, #tpu.memory_space<hbm>> -> memref<40xi32, #tpu.memory_space<hbm>>
      %dma_wait3A_176 = arith.constant 0 : i32
      %dma_wait3A_177 = tpu.memref_slice %arg4[%add3A, %dma_wait3A_172, %dma_wait3A_176] : memref<32x250x40xi32, #tpu.memory_space<hbm>> -> memref<1x1x40xi32, #tpu.memory_space<hbm>>
      %dma_wait3A_178 = tpu.memref_squeeze %dma_wait3A_177 : memref<1x1x40xi32, #tpu.memory_space<hbm>> -> memref<40xi32, #tpu.memory_space<hbm>>
      tpu.wait_dma2 semaphore(%arg23 : memref<!tpu.dma_semaphore, #tpu.memory_space<semaphore_mem>>) src(%dma_wait3A_178 : memref<40xi32, #tpu.memory_space<hbm>>) dst(%arg11 : memref<40xi32, #tpu.memory_space<vmem>>)
      "tpu.region"() ({
        %run_scoped3A = tpu.sem_alloc : memref<!tpu.dma_semaphore, #tpu.memory_space<semaphore_mem>>
        %dma_start3A_209 = arith.constant 0 : i32
        %dma_start3A_210 = arith.constant 0 : i32
        %dma_start3A_211 = tpu.memref_slice %arg18[%dma_start3A_209, %dma_start3A_210] : memref<10000x128xf32, #tpu.memory_space<vmem_shared>> -> memref<10000x128xf32, #tpu.memory_space<vmem_shared>>
        tpu.enqueue_indirect_dma source(%arg16 : memref<40x128xf32, #tpu.memory_space<vmem>>) target(%dma_start3A_211 : memref<10000x128xf32, #tpu.memory_space<vmem_shared>>) offsets(%arg11 : memref<40xi32, #tpu.memory_space<vmem>>) semaphore(%run_scoped3A : memref<!tpu.dma_semaphore, #tpu.memory_space<semaphore_mem>>) {add = true}
        %dma_wait3A_212 = arith.constant 0 : i32
        %dma_wait3A_213 = arith.constant 0 : i32
        %dma_wait3A_214 = tpu.memref_slice %arg18[%dma_wait3A_212, %dma_wait3A_213] : memref<10000x128xf32, #tpu.memory_space<vmem_shared>> -> memref<10000x128xf32, #tpu.memory_space<vmem_shared>>
        tpu.wait_indirect_dma semaphore(%run_scoped3A : memref<!tpu.dma_semaphore, #tpu.memory_space<semaphore_mem>>) src(%arg16 : memref<40x128xf32, #tpu.memory_space<vmem>>) dst(%dma_wait3A_214 : memref<10000x128xf32, #tpu.memory_space<vmem_shared>>)
        tpu.yield
      }) : () -> ()
      %add3A_179 = arith.constant 5 : i32
      %add3A_180 = arith.addi %add3A_166, %add3A_179 : i32
      %lt3A_181 = arith.constant 250 : i32
      %lt3A_182 = arith.cmpi slt, %add3A_180, %lt3A_181 : i32
      %convert_element_type3A_183 = arith.extui %lt3A_182 : i1 to i32
      %cond3A_184 = arith.constant 0 : i32
      %cond3A_185 = arith.cmpi ne, %convert_element_type3A_183, %cond3A_184 : i32
      scf.if %cond3A_185 {
        %add3A_209 = arith.constant 5 : i32
        %add3A_210 = arith.addi %add3A_166, %add3A_209 : i32
        %dma_start3A_211 = arith.constant 0 : i32
        %dma_start3A_212 = tpu.memref_slice %arg4[%add3A, %add3A_210, %dma_start3A_211] : memref<32x250x40xi32, #tpu.memory_space<hbm>> -> memref<1x1x40xi32, #tpu.memory_space<hbm>>
        %dma_start3A_213 = tpu.memref_squeeze %dma_start3A_212 : memref<1x1x40xi32, #tpu.memory_space<hbm>> -> memref<40xi32, #tpu.memory_space<hbm>>
        %dma_start3A_214 = arith.constant 0 : i32
        %dma_start3A_215 = tpu.memref_slice %arg4[%add3A, %add3A_210, %dma_start3A_214] : memref<32x250x40xi32, #tpu.memory_space<hbm>> -> memref<1x1x40xi32, #tpu.memory_space<hbm>>
        %dma_start3A_216 = tpu.memref_squeeze %dma_start3A_215 : memref<1x1x40xi32, #tpu.memory_space<hbm>> -> memref<40xi32, #tpu.memory_space<hbm>>
        tpu.enqueue_dma source(%dma_start3A_216 : memref<40xi32, #tpu.memory_space<hbm>>) target(%arg11 : memref<40xi32, #tpu.memory_space<vmem>>) target_semaphore(%arg23 : memref<!tpu.dma_semaphore, #tpu.memory_space<semaphore_mem>>)
        %add3A_217 = arith.constant 5 : i32
        %add3A_218 = arith.addi %add3A_166, %add3A_217 : i32
        %mul3A_219 = arith.constant 40 : i32
        %mul3A_220 = arith.muli %add3A_218, %mul3A_219 : i32
        %dma_start3A_221 = tpu.memref_slice %arg7[%mul3A_220] : memref<10000xi32, #tpu.memory_space<vmem>> -> memref<40xi32, #tpu.memory_space<vmem>>
        %dma_start3A_222 = arith.constant 0 : i32
        %dma_start3A_223 = arith.constant 0 : i32
        %dma_start3A_224 = tpu.memref_slice %arg2[%dma_start3A_222, %dma_start3A_223] : memref<10000x128xf32, #tpu.memory_space<hbm>> -> memref<10000x128xf32, #tpu.memory_space<hbm>>
        tpu.enqueue_indirect_dma source(%dma_start3A_224 : memref<10000x128xf32, #tpu.memory_space<hbm>>) target(%arg16 : memref<40x128xf32, #tpu.memory_space<vmem>>) offsets(%dma_start3A_221 : memref<40xi32, #tpu.memory_space<vmem>>) semaphore(%arg28 : memref<!tpu.dma_semaphore, #tpu.memory_space<semaphore_mem>>)
      } else {
      }
      %mul3A_186 = arith.constant 5 : i32
      %mul3A_187 = arith.muli %scan3A_93, %mul3A_186 : i32
      %add3A_188 = arith.constant 4 : i32
      %add3A_189 = arith.addi %mul3A_187, %add3A_188 : i32
      %dma_wait3A_190 = arith.constant 0 : i32
      %dma_wait3A_191 = tpu.memref_slice %arg7[%dma_wait3A_190] : memref<10000xi32, #tpu.memory_space<vmem>> -> memref<40xi32, #tpu.memory_space<vmem>>
      %dma_wait3A_192 = arith.constant 0 : i32
      %dma_wait3A_193 = arith.constant 0 : i32
      %dma_wait3A_194 = tpu.memref_slice %arg2[%dma_wait3A_192, %dma_wait3A_193] : memref<10000x128xf32, #tpu.memory_space<hbm>> -> memref<10000x128xf32, #tpu.memory_space<hbm>>
      tpu.wait_indirect_dma semaphore(%arg29 : memref<!tpu.dma_semaphore, #tpu.memory_space<semaphore_mem>>) src(%dma_wait3A_194 : memref<10000x128xf32, #tpu.memory_space<hbm>>) dst(%arg17 : memref<40x128xf32, #tpu.memory_space<vmem>>)
      %dma_wait3A_195 = arith.constant 0 : i32
      %dma_wait3A_196 = arith.constant 0 : i32
      %dma_wait3A_197 = tpu.memref_slice %arg4[%add3A, %dma_wait3A_195, %dma_wait3A_196] : memref<32x250x40xi32, #tpu.memory_space<hbm>> -> memref<1x1x40xi32, #tpu.memory_space<hbm>>
      %dma_wait3A_198 = tpu.memref_squeeze %dma_wait3A_197 : memref<1x1x40xi32, #tpu.memory_space<hbm>> -> memref<40xi32, #tpu.memory_space<hbm>>
      %dma_wait3A_199 = arith.constant 0 : i32
      %dma_wait3A_200 = tpu.memref_slice %arg4[%add3A, %dma_wait3A_195, %dma_wait3A_199] : memref<32x250x40xi32, #tpu.memory_space<hbm>> -> memref<1x1x40xi32, #tpu.memory_space<hbm>>
      %dma_wait3A_201 = tpu.memref_squeeze %dma_wait3A_200 : memref<1x1x40xi32, #tpu.memory_space<hbm>> -> memref<40xi32, #tpu.memory_space<hbm>>
      tpu.wait_dma2 semaphore(%arg24 : memref<!tpu.dma_semaphore, #tpu.memory_space<semaphore_mem>>) src(%dma_wait3A_201 : memref<40xi32, #tpu.memory_space<hbm>>) dst(%arg12 : memref<40xi32, #tpu.memory_space<vmem>>)
      "tpu.region"() ({
        %run_scoped3A = tpu.sem_alloc : memref<!tpu.dma_semaphore, #tpu.memory_space<semaphore_mem>>
        %dma_start3A_209 = arith.constant 0 : i32
        %dma_start3A_210 = arith.constant 0 : i32
        %dma_start3A_211 = tpu.memref_slice %arg18[%dma_start3A_209, %dma_start3A_210] : memref<10000x128xf32, #tpu.memory_space<vmem_shared>> -> memref<10000x128xf32, #tpu.memory_space<vmem_shared>>
        tpu.enqueue_indirect_dma source(%arg17 : memref<40x128xf32, #tpu.memory_space<vmem>>) target(%dma_start3A_211 : memref<10000x128xf32, #tpu.memory_space<vmem_shared>>) offsets(%arg12 : memref<40xi32, #tpu.memory_space<vmem>>) semaphore(%run_scoped3A : memref<!tpu.dma_semaphore, #tpu.memory_space<semaphore_mem>>) {add = true}
        %dma_wait3A_212 = arith.constant 0 : i32
        %dma_wait3A_213 = arith.constant 0 : i32
        %dma_wait3A_214 = tpu.memref_slice %arg18[%dma_wait3A_212, %dma_wait3A_213] : memref<10000x128xf32, #tpu.memory_space<vmem_shared>> -> memref<10000x128xf32, #tpu.memory_space<vmem_shared>>
        tpu.wait_indirect_dma semaphore(%run_scoped3A : memref<!tpu.dma_semaphore, #tpu.memory_space<semaphore_mem>>) src(%arg17 : memref<40x128xf32, #tpu.memory_space<vmem>>) dst(%dma_wait3A_214 : memref<10000x128xf32, #tpu.memory_space<vmem_shared>>)
        tpu.yield
      }) : () -> ()
      %add3A_202 = arith.constant 5 : i32
      %add3A_203 = arith.addi %add3A_189, %add3A_202 : i32
      %lt3A_204 = arith.constant 250 : i32
      %lt3A_205 = arith.cmpi slt, %add3A_203, %lt3A_204 : i32
      %convert_element_type3A_206 = arith.extui %lt3A_205 : i1 to i32
      %cond3A_207 = arith.constant 0 : i32
      %cond3A_208 = arith.cmpi ne, %convert_element_type3A_206, %cond3A_207 : i32
      scf.if %cond3A_208 {
        %add3A_209 = arith.constant 5 : i32
        %add3A_210 = arith.addi %add3A_189, %add3A_209 : i32
        %dma_start3A_211 = arith.constant 0 : i32
        %dma_start3A_212 = tpu.memref_slice %arg4[%add3A, %add3A_210, %dma_start3A_211] : memref<32x250x40xi32, #tpu.memory_space<hbm>> -> memref<1x1x40xi32, #tpu.memory_space<hbm>>
        %dma_start3A_213 = tpu.memref_squeeze %dma_start3A_212 : memref<1x1x40xi32, #tpu.memory_space<hbm>> -> memref<40xi32, #tpu.memory_space<hbm>>
        %dma_start3A_214 = arith.constant 0 : i32
        %dma_start3A_215 = tpu.memref_slice %arg4[%add3A, %add3A_210, %dma_start3A_214] : memref<32x250x40xi32, #tpu.memory_space<hbm>> -> memref<1x1x40xi32, #tpu.memory_space<hbm>>
        %dma_start3A_216 = tpu.memref_squeeze %dma_start3A_215 : memref<1x1x40xi32, #tpu.memory_space<hbm>> -> memref<40xi32, #tpu.memory_space<hbm>>
        tpu.enqueue_dma source(%dma_start3A_216 : memref<40xi32, #tpu.memory_space<hbm>>) target(%arg12 : memref<40xi32, #tpu.memory_space<vmem>>) target_semaphore(%arg24 : memref<!tpu.dma_semaphore, #tpu.memory_space<semaphore_mem>>)
        %add3A_217 = arith.constant 5 : i32
        %add3A_218 = arith.addi %add3A_189, %add3A_217 : i32
        %mul3A_219 = arith.constant 40 : i32
        %mul3A_220 = arith.muli %add3A_218, %mul3A_219 : i32
        %dma_start3A_221 = tpu.memref_slice %arg7[%mul3A_220] : memref<10000xi32, #tpu.memory_space<vmem>> -> memref<40xi32, #tpu.memory_space<vmem>>
        %dma_start3A_222 = arith.constant 0 : i32
        %dma_start3A_223 = arith.constant 0 : i32
        %dma_start3A_224 = tpu.memref_slice %arg2[%dma_start3A_222, %dma_start3A_223] : memref<10000x128xf32, #tpu.memory_space<hbm>> -> memref<10000x128xf32, #tpu.memory_space<hbm>>
        tpu.enqueue_indirect_dma source(%dma_start3A_224 : memref<10000x128xf32, #tpu.memory_space<hbm>>) target(%arg17 : memref<40x128xf32, #tpu.memory_space<vmem>>) offsets(%dma_start3A_221 : memref<40xi32, #tpu.memory_space<vmem>>) semaphore(%arg29 : memref<!tpu.dma_semaphore, #tpu.memory_space<semaphore_mem>>)
      } else {
      }
    }
    %scan3A_81 = arith.constant 50 : i32
    %barrier3A_82 = arith.constant 0 : index
    tpu.barrier barrier_id(%barrier3A_82)
    %lt3A_83 = arith.constant 15 : i32
    %lt3A_84 = arith.cmpi slt, %arg1, %lt3A_83 : i32
    %convert_element_type3A_85 = arith.extui %lt3A_84 : i1 to i32
    %cond3A_86 = arith.constant 0 : i32
    %cond3A_87 = arith.cmpi ne, %convert_element_type3A_85, %cond3A_86 : i32
    scf.if %cond3A_87 {
      %mul3A_93 = arith.constant 632 : i32
      %mul3A_94 = arith.muli %arg1, %mul3A_93 : i32
      %mul3A_95 = arith.constant 632 : i32
      %mul3A_96 = arith.muli %arg1, %mul3A_95 : i32
      "tpu.region"() ({
        %run_scoped3A = tpu.sem_alloc : memref<!tpu.dma_semaphore, #tpu.memory_space<semaphore_mem>>
        %dma_start3A_97 = arith.constant 0 : i32
        %dma_start3A_98 = tpu.memref_slice %arg6[%arg0, %mul3A_96, %dma_start3A_97] : memref<2x10000x128xf32, #tpu.memory_space<hbm>> -> memref<1x632x128xf32, #tpu.memory_space<hbm>>
        %dma_start3A_99 = tpu.memref_squeeze %dma_start3A_98 : memref<1x632x128xf32, #tpu.memory_space<hbm>> -> memref<632x128xf32, #tpu.memory_space<hbm>>
        %dma_start3A_100 = arith.constant 0 : i32
        %dma_start3A_101 = tpu.memref_slice %arg18[%mul3A_94, %dma_start3A_100] : memref<10000x128xf32, #tpu.memory_space<vmem_shared>> -> memref<632x128xf32, #tpu.memory_space<vmem_shared>>
        tpu.enqueue_dma source(%dma_start3A_101 : memref<632x128xf32, #tpu.memory_space<vmem_shared>>) target(%dma_start3A_99 : memref<632x128xf32, #tpu.memory_space<hbm>>) target_semaphore(%run_scoped3A : memref<!tpu.dma_semaphore, #tpu.memory_space<semaphore_mem>>)
        %dma_wait3A_102 = arith.constant 0 : i32
        %dma_wait3A_103 = tpu.memref_slice %arg6[%arg0, %mul3A_96, %dma_wait3A_102] : memref<2x10000x128xf32, #tpu.memory_space<hbm>> -> memref<1x632x128xf32, #tpu.memory_space<hbm>>
        %dma_wait3A_104 = tpu.memref_squeeze %dma_wait3A_103 : memref<1x632x128xf32, #tpu.memory_space<hbm>> -> memref<632x128xf32, #tpu.memory_space<hbm>>
        %dma_wait3A_105 = arith.constant 0 : i32
        %dma_wait3A_106 = tpu.memref_slice %arg18[%mul3A_94, %dma_wait3A_105] : memref<10000x128xf32, #tpu.memory_space<vmem_shared>> -> memref<632x128xf32, #tpu.memory_space<vmem_shared>>
        tpu.wait_dma2 semaphore(%run_scoped3A : memref<!tpu.dma_semaphore, #tpu.memory_space<semaphore_mem>>) src(%dma_wait3A_106 : memref<632x128xf32, #tpu.memory_space<vmem_shared>>) dst(%dma_wait3A_104 : memref<632x128xf32, #tpu.memory_space<hbm>>)
        tpu.yield
      }) : () -> ()
    } else {
    }
    %eq3A_88 = arith.constant 15 : i32
    %eq3A_89 = arith.cmpi eq, %arg1, %eq3A_88 : i32
    %convert_element_type3A_90 = arith.extui %eq3A_89 : i1 to i32
    %cond3A_91 = arith.constant 0 : i32
    %cond3A_92 = arith.cmpi ne, %convert_element_type3A_90, %cond3A_91 : i32
    scf.if %cond3A_92 {
      "tpu.region"() ({
        %run_scoped3A = tpu.sem_alloc : memref<!tpu.dma_semaphore, #tpu.memory_space<semaphore_mem>>
        %dma_start3A_93 = arith.constant 9480 : i32
        %dma_start3A_94 = arith.constant 0 : i32
        %dma_start3A_95 = tpu.memref_slice %arg6[%arg0, %dma_start3A_93, %dma_start3A_94] : memref<2x10000x128xf32, #tpu.memory_space<hbm>> -> memref<1x520x128xf32, #tpu.memory_space<hbm>>
        %dma_start3A_96 = tpu.memref_squeeze %dma_start3A_95 : memref<1x520x128xf32, #tpu.memory_space<hbm>> -> memref<520x128xf32, #tpu.memory_space<hbm>>
        %dma_start3A_97 = arith.constant 9480 : i32
        %dma_start3A_98 = arith.constant 0 : i32
        %dma_start3A_99 = tpu.memref_slice %arg18[%dma_start3A_97, %dma_start3A_98] : memref<10000x128xf32, #tpu.memory_space<vmem_shared>> -> memref<520x128xf32, #tpu.memory_space<vmem_shared>>
        tpu.enqueue_dma source(%dma_start3A_99 : memref<520x128xf32, #tpu.memory_space<vmem_shared>>) target(%dma_start3A_96 : memref<520x128xf32, #tpu.memory_space<hbm>>) target_semaphore(%run_scoped3A : memref<!tpu.dma_semaphore, #tpu.memory_space<semaphore_mem>>)
        %dma_wait3A_100 = arith.constant 9480 : i32
        %dma_wait3A_101 = arith.constant 0 : i32
        %dma_wait3A_102 = tpu.memref_slice %arg6[%arg0, %dma_wait3A_100, %dma_wait3A_101] : memref<2x10000x128xf32, #tpu.memory_space<hbm>> -> memref<1x520x128xf32, #tpu.memory_space<hbm>>
        %dma_wait3A_103 = tpu.memref_squeeze %dma_wait3A_102 : memref<1x520x128xf32, #tpu.memory_space<hbm>> -> memref<520x128xf32, #tpu.memory_space<hbm>>
        %dma_wait3A_104 = arith.constant 9480 : i32
        %dma_wait3A_105 = arith.constant 0 : i32
        %dma_wait3A_106 = tpu.memref_slice %arg18[%dma_wait3A_104, %dma_wait3A_105] : memref<10000x128xf32, #tpu.memory_space<vmem_shared>> -> memref<520x128xf32, #tpu.memory_space<vmem_shared>>
        tpu.wait_dma2 semaphore(%run_scoped3A : memref<!tpu.dma_semaphore, #tpu.memory_space<semaphore_mem>>) src(%dma_wait3A_106 : memref<520x128xf32, #tpu.memory_space<vmem_shared>>) dst(%dma_wait3A_103 : memref<520x128xf32, #tpu.memory_space<hbm>>)
        tpu.yield
      }) : () -> ()
    } else {
    }
    return
  }
}

#map = affine_map<(d0, d1) -> (0, 0)>
#map1 = affine_map<(d0, d1) -> (0, 0, 0)>
module attributes {stable_mosaic.version = 14 : i64} {
  func.func @body(%arg0: i32, %arg1: i32, %arg2: memref<10000x128xf32, #tpu.memory_space<hbm>>, %arg3: memref<32x10000xi32, #tpu.memory_space<hbm>>, %arg4: memref<32x250x40xi32, #tpu.memory_space<hbm>>, %arg5: memref<10000x128xf32, #tpu.memory_space<hbm>>, %arg6: memref<2x10000x128xf32, #tpu.memory_space<hbm>>, %arg7: memref<10000xi32, #tpu.memory_space<vmem>>, %arg8: memref<40xi32, #tpu.memory_space<vmem>>, %arg9: memref<40xi32, #tpu.memory_space<vmem>>, %arg10: memref<40xi32, #tpu.memory_space<vmem>>, %arg11: memref<40xi32, #tpu.memory_space<vmem>>, %arg12: memref<40xi32, #tpu.memory_space<vmem>>, %arg13: memref<40x128xf32, #tpu.memory_space<vmem>>, %arg14: memref<40x128xf32, #tpu.memory_space<vmem>>, %arg15: memref<40x128xf32, #tpu.memory_space<vmem>>, %arg16: memref<40x128xf32, #tpu.memory_space<vmem>>, %arg17: memref<40x128xf32, #tpu.memory_space<vmem>>, %arg18: memref<10000x128xf32, #tpu.memory_space<vmem_shared>>, %arg19: memref<!tpu.dma_semaphore, #tpu.memory_space<semaphore_mem>>, %arg20: memref<!tpu.dma_semaphore, #tpu.memory_space<semaphore_mem>>, %arg21: memref<!tpu.dma_semaphore, #tpu.memory_space<semaphore_mem>>, %arg22: memref<!tpu.dma_semaphore, #tpu.memory_space<semaphore_mem>>, %arg23: memref<!tpu.dma_semaphore, #tpu.memory_space<semaphore_mem>>, %arg24: memref<!tpu.dma_semaphore, #tpu.memory_space<semaphore_mem>>, %arg25: memref<!tpu.dma_semaphore, #tpu.memory_space<semaphore_mem>>, %arg26: memref<!tpu.dma_semaphore, #tpu.memory_space<semaphore_mem>>, %arg27: memref<!tpu.dma_semaphore, #tpu.memory_space<semaphore_mem>>, %arg28: memref<!tpu.dma_semaphore, #tpu.memory_space<semaphore_mem>>, %arg29: memref<!tpu.dma_semaphore, #tpu.memory_space<semaphore_mem>>) attributes {dimension_semantics = [#tpu.dimension_semantics<core_parallel>, #tpu.dimension_semantics<subcore_parallel>], iteration_bounds = array<i64: 2, 16>, scalar_prefetch = 0 : i64, scratch_operands = 23 : i64, tpu.core_type = #tpu.core_type<sc_vector_subcore>, window_params = [{transform_indices = #map}, {transform_indices = #map}, {transform_indices = #map1}, {transform_indices = #map}, {transform_indices = #map1}]} {
    %mul3A = arith.constant 2 : i32
    %mul3A_0 = arith.muli %arg1, %mul3A : i32
    %add3A = arith.addi %mul3A_0, %arg0 : i32
    %dma_start3A = arith.constant 0 : i32
    %dma_start3A_1 = tpu.memref_slice %arg3[%add3A, %dma_start3A] : memref<32x10000xi32, #tpu.memory_space<hbm>> -> memref<1x10000xi32, #tpu.memory_space<hbm>>
    %dma_start3A_2 = tpu.memref_squeeze %dma_start3A_1 : memref<1x10000xi32, #tpu.memory_space<hbm>> -> memref<10000xi32, #tpu.memory_space<hbm>>
    %dma_start3A_3 = arith.constant 0 : i32
    %dma_start3A_4 = tpu.memref_slice %arg3[%add3A, %dma_start3A_3] : memref<32x10000xi32, #tpu.memory_space<hbm>> -> memref<1x10000xi32, #tpu.memory_space<hbm>>
    %dma_start3A_5 = tpu.memref_squeeze %dma_start3A_4 : memref<1x10000xi32, #tpu.memory_space<hbm>> -> memref<10000xi32, #tpu.memory_space<hbm>>
    tpu.enqueue_dma source(%dma_start3A_5 : memref<10000xi32, #tpu.memory_space<hbm>>) target(%arg7 : memref<10000xi32, #tpu.memory_space<vmem>>) target_semaphore(%arg19 : memref<!tpu.dma_semaphore, #tpu.memory_space<semaphore_mem>>)
    %dma_start3A_6 = arith.constant 0 : i32
    %dma_start3A_7 = arith.constant 0 : i32
    %dma_start3A_8 = tpu.memref_slice %arg4[%add3A, %dma_start3A_6, %dma_start3A_7] : memref<32x250x40xi32, #tpu.memory_space<hbm>> -> memref<1x1x40xi32, #tpu.memory_space<hbm>>
    %dma_start3A_9 = tpu.memref_squeeze %dma_start3A_8 : memref<1x1x40xi32, #tpu.memory_space<hbm>> -> memref<40xi32, #tpu.memory_space<hbm>>
    %dma_start3A_10 = arith.constant 0 : i32
    %dma_start3A_11 = tpu.memref_slice %arg4[%add3A, %dma_start3A_6, %dma_start3A_10] : memref<32x250x40xi32, #tpu.memory_space<hbm>> -> memref<1x1x40xi32, #tpu.memory_space<hbm>>
    %dma_start3A_12 = tpu.memref_squeeze %dma_start3A_11 : memref<1x1x40xi32, #tpu.memory_space<hbm>> -> memref<40xi32, #tpu.memory_space<hbm>>
    tpu.enqueue_dma source(%dma_start3A_12 : memref<40xi32, #tpu.memory_space<hbm>>) target(%arg8 : memref<40xi32, #tpu.memory_space<vmem>>) target_semaphore(%arg20 : memref<!tpu.dma_semaphore, #tpu.memory_space<semaphore_mem>>)
    %dma_start3A_13 = arith.constant 1 : i32
    %dma_start3A_14 = arith.constant 0 : i32
    %dma_start3A_15 = tpu.memref_slice %arg4[%add3A, %dma_start3A_13, %dma_start3A_14] : memref<32x250x40xi32, #tpu.memory_space<hbm>> -> memref<1x1x40xi32, #tpu.memory_space<hbm>>
    %dma_start3A_16 = tpu.memref_squeeze %dma_start3A_15 : memref<1x1x40xi32, #tpu.memory_space<hbm>> -> memref<40xi32, #tpu.memory_space<hbm>>
    %dma_start3A_17 = arith.constant 0 : i32
    %dma_start3A_18 = tpu.memref_slice %arg4[%add3A, %dma_start3A_13, %dma_start3A_17] : memref<32x250x40xi32, #tpu.memory_space<hbm>> -> memref<1x1x40xi32, #tpu.memory_space<hbm>>
    %dma_start3A_19 = tpu.memref_squeeze %dma_start3A_18 : memref<1x1x40xi32, #tpu.memory_space<hbm>> -> memref<40xi32, #tpu.memory_space<hbm>>
    tpu.enqueue_dma source(%dma_start3A_19 : memref<40xi32, #tpu.memory_space<hbm>>) target(%arg9 : memref<40xi32, #tpu.memory_space<vmem>>) target_semaphore(%arg21 : memref<!tpu.dma_semaphore, #tpu.memory_space<semaphore_mem>>)
    %dma_start3A_20 = arith.constant 2 : i32
    %dma_start3A_21 = arith.constant 0 : i32
    %dma_start3A_22 = tpu.memref_slice %arg4[%add3A, %dma_start3A_20, %dma_start3A_21] : memref<32x250x40xi32, #tpu.memory_space<hbm>> -> memref<1x1x40xi32, #tpu.memory_space<hbm>>
    %dma_start3A_23 = tpu.memref_squeeze %dma_start3A_22 : memref<1x1x40xi32, #tpu.memory_space<hbm>> -> memref<40xi32, #tpu.memory_space<hbm>>
    %dma_start3A_24 = arith.constant 0 : i32
    %dma_start3A_25 = tpu.memref_slice %arg4[%add3A, %dma_start3A_20, %dma_start3A_24] : memref<32x250x40xi32, #tpu.memory_space<hbm>> -> memref<1x1x40xi32, #tpu.memory_space<hbm>>
    %dma_start3A_26 = tpu.memref_squeeze %dma_start3A_25 : memref<1x1x40xi32, #tpu.memory_space<hbm>> -> memref<40xi32, #tpu.memory_space<hbm>>
    tpu.enqueue_dma source(%dma_start3A_26 : memref<40xi32, #tpu.memory_space<hbm>>) target(%arg10 : memref<40xi32, #tpu.memory_space<vmem>>) target_semaphore(%arg22 : memref<!tpu.dma_semaphore, #tpu.memory_space<semaphore_mem>>)
    %dma_start3A_27 = arith.constant 3 : i32
    %dma_start3A_28 = arith.constant 0 : i32
    %dma_start3A_29 = tpu.memref_slice %arg4[%add3A, %dma_start3A_27, %dma_start3A_28] : memref<32x250x40xi32, #tpu.memory_space<hbm>> -> memref<1x1x40xi32, #tpu.memory_space<hbm>>
    %dma_start3A_30 = tpu.memref_squeeze %dma_start3A_29 : memref<1x1x40xi32, #tpu.memory_space<hbm>> -> memref<40xi32, #tpu.memory_space<hbm>>
    %dma_start3A_31 = arith.constant 0 : i32
    %dma_start3A_32 = tpu.memref_slice %arg4[%add3A, %dma_start3A_27, %dma_start3A_31] : memref<32x250x40xi32, #tpu.memory_space<hbm>> -> memref<1x1x40xi32, #tpu.memory_space<hbm>>
    %dma_start3A_33 = tpu.memref_squeeze %dma_start3A_32 : memref<1x1x40xi32, #tpu.memory_space<hbm>> -> memref<40xi32, #tpu.memory_space<hbm>>
    tpu.enqueue_dma source(%dma_start3A_33 : memref<40xi32, #tpu.memory_space<hbm>>) target(%arg11 : memref<40xi32, #tpu.memory_space<vmem>>) target_semaphore(%arg23 : memref<!tpu.dma_semaphore, #tpu.memory_space<semaphore_mem>>)
    %dma_start3A_34 = arith.constant 4 : i32
    %dma_start3A_35 = arith.constant 0 : i32
    %dma_start3A_36 = tpu.memref_slice %arg4[%add3A, %dma_start3A_34, %dma_start3A_35] : memref<32x250x40xi32, #tpu.memory_space<hbm>> -> memref<1x1x40xi32, #tpu.memory_space<hbm>>
    %dma_start3A_37 = tpu.memref_squeeze %dma_start3A_36 : memref<1x1x40xi32, #tpu.memory_space<hbm>> -> memref<40xi32, #tpu.memory_space<hbm>>
    %dma_start3A_38 = arith.constant 0 : i32
    %dma_start3A_39 = tpu.memref_slice %arg4[%add3A, %dma_start3A_34, %dma_start3A_38] : memref<32x250x40xi32, #tpu.memory_space<hbm>> -> memref<1x1x40xi32, #tpu.memory_space<hbm>>
    %dma_start3A_40 = tpu.memref_squeeze %dma_start3A_39 : memref<1x1x40xi32, #tpu.memory_space<hbm>> -> memref<40xi32, #tpu.memory_space<hbm>>
    tpu.enqueue_dma source(%dma_start3A_40 : memref<40xi32, #tpu.memory_space<hbm>>) target(%arg12 : memref<40xi32, #tpu.memory_space<vmem>>) target_semaphore(%arg24 : memref<!tpu.dma_semaphore, #tpu.memory_space<semaphore_mem>>)
    %lt3A = arith.constant 15 : i32
    %lt3A_41 = arith.cmpi slt, %arg1, %lt3A : i32
    %convert_element_type3A = arith.extui %lt3A_41 : i1 to i32
    %cond3A = arith.constant 0 : i32
    %cond3A_42 = arith.cmpi ne, %convert_element_type3A, %cond3A : i32
    scf.if %cond3A_42 {
      %mul3A_93 = arith.constant 632 : i32
      %mul3A_94 = arith.muli %arg1, %mul3A_93 : i32
      %mul3A_95 = arith.constant 632 : i32
      %mul3A_96 = arith.muli %arg1, %mul3A_95 : i32
      "tpu.region"() ({
        %run_scoped3A = tpu.sem_alloc : memref<!tpu.dma_semaphore, #tpu.memory_space<semaphore_mem>>
        %dma_start3A_97 = arith.constant 0 : i32
        %dma_start3A_98 = tpu.memref_slice %arg18[%mul3A_96, %dma_start3A_97] : memref<10000x128xf32, #tpu.memory_space<vmem_shared>> -> memref<632x128xf32, #tpu.memory_space<vmem_shared>>
        %dma_start3A_99 = arith.constant 0 : i32
        %dma_start3A_100 = tpu.memref_slice %arg5[%mul3A_94, %dma_start3A_99] : memref<10000x128xf32, #tpu.memory_space<hbm>> -> memref<632x128xf32, #tpu.memory_space<hbm>>
        tpu.enqueue_dma source(%dma_start3A_100 : memref<632x128xf32, #tpu.memory_space<hbm>>) target(%dma_start3A_98 : memref<632x128xf32, #tpu.memory_space<vmem_shared>>) target_semaphore(%run_scoped3A : memref<!tpu.dma_semaphore, #tpu.memory_space<semaphore_mem>>)
        %dma_wait3A_101 = arith.constant 0 : i32
        %dma_wait3A_102 = tpu.memref_slice %arg18[%mul3A_96, %dma_wait3A_101] : memref<10000x128xf32, #tpu.memory_space<vmem_shared>> -> memref<632x128xf32, #tpu.memory_space<vmem_shared>>
        %dma_wait3A_103 = arith.constant 0 : i32
        %dma_wait3A_104 = tpu.memref_slice %arg5[%mul3A_94, %dma_wait3A_103] : memref<10000x128xf32, #tpu.memory_space<hbm>> -> memref<632x128xf32, #tpu.memory_space<hbm>>
        tpu.wait_dma2 semaphore(%run_scoped3A : memref<!tpu.dma_semaphore, #tpu.memory_space<semaphore_mem>>) src(%dma_wait3A_104 : memref<632x128xf32, #tpu.memory_space<hbm>>) dst(%dma_wait3A_102 : memref<632x128xf32, #tpu.memory_space<vmem_shared>>)
        tpu.yield
      }) : () -> ()
    } else {
    }
    %eq3A = arith.constant 15 : i32
    %eq3A_43 = arith.cmpi eq, %arg1, %eq3A : i32
    %convert_element_type3A_44 = arith.extui %eq3A_43 : i1 to i32
    %cond3A_45 = arith.constant 0 : i32
    %cond3A_46 = arith.cmpi ne, %convert_element_type3A_44, %cond3A_45 : i32
    scf.if %cond3A_46 {
      "tpu.region"() ({
        %run_scoped3A = tpu.sem_alloc : memref<!tpu.dma_semaphore, #tpu.memory_space<semaphore_mem>>
        %dma_start3A_93 = arith.constant 9480 : i32
        %dma_start3A_94 = arith.constant 0 : i32
        %dma_start3A_95 = tpu.memref_slice %arg18[%dma_start3A_93, %dma_start3A_94] : memref<10000x128xf32, #tpu.memory_space<vmem_shared>> -> memref<520x128xf32, #tpu.memory_space<vmem_shared>>
        %dma_start3A_96 = arith.constant 9480 : i32
        %dma_start3A_97 = arith.constant 0 : i32
        %dma_start3A_98 = tpu.memref_slice %arg5[%dma_start3A_96, %dma_start3A_97] : memref<10000x128xf32, #tpu.memory_space<hbm>> -> memref<520x128xf32, #tpu.memory_space<hbm>>
        tpu.enqueue_dma source(%dma_start3A_98 : memref<520x128xf32, #tpu.memory_space<hbm>>) target(%dma_start3A_95 : memref<520x128xf32, #tpu.memory_space<vmem_shared>>) target_semaphore(%run_scoped3A : memref<!tpu.dma_semaphore, #tpu.memory_space<semaphore_mem>>)
        %dma_wait3A_99 = arith.constant 9480 : i32
        %dma_wait3A_100 = arith.constant 0 : i32
        %dma_wait3A_101 = tpu.memref_slice %arg18[%dma_wait3A_99, %dma_wait3A_100] : memref<10000x128xf32, #tpu.memory_space<vmem_shared>> -> memref<520x128xf32, #tpu.memory_space<vmem_shared>>
        %dma_wait3A_102 = arith.constant 9480 : i32
        %dma_wait3A_103 = arith.constant 0 : i32
        %dma_wait3A_104 = tpu.memref_slice %arg5[%dma_wait3A_102, %dma_wait3A_103] : memref<10000x128xf32, #tpu.memory_space<hbm>> -> memref<520x128xf32, #tpu.memory_space<hbm>>
        tpu.wait_dma2 semaphore(%run_scoped3A : memref<!tpu.dma_semaphore, #tpu.memory_space<semaphore_mem>>) src(%dma_wait3A_104 : memref<520x128xf32, #tpu.memory_space<hbm>>) dst(%dma_wait3A_101 : memref<520x128xf32, #tpu.memory_space<vmem_shared>>)
        tpu.yield
      }) : () -> ()
    } else {
    }
    %dma_wait3A = arith.constant 0 : i32
    %dma_wait3A_47 = tpu.memref_slice %arg3[%add3A, %dma_wait3A] : memref<32x10000xi32, #tpu.memory_space<hbm>> -> memref<1x10000xi32, #tpu.memory_space<hbm>>
    %dma_wait3A_48 = tpu.memref_squeeze %dma_wait3A_47 : memref<1x10000xi32, #tpu.memory_space<hbm>> -> memref<10000xi32, #tpu.memory_space<hbm>>
    %dma_wait3A_49 = arith.constant 0 : i32
    %dma_wait3A_50 = tpu.memref_slice %arg3[%add3A, %dma_wait3A_49] : memref<32x10000xi32, #tpu.memory_space<hbm>> -> memref<1x10000xi32, #tpu.memory_space<hbm>>
    %dma_wait3A_51 = tpu.memref_squeeze %dma_wait3A_50 : memref<1x10000xi32, #tpu.memory_space<hbm>> -> memref<10000xi32, #tpu.memory_space<hbm>>
    tpu.wait_dma2 semaphore(%arg19 : memref<!tpu.dma_semaphore, #tpu.memory_space<semaphore_mem>>) src(%dma_wait3A_51 : memref<10000xi32, #tpu.memory_space<hbm>>) dst(%arg7 : memref<10000xi32, #tpu.memory_space<vmem>>)
    %barrier3A = arith.constant 0 : index
    tpu.barrier barrier_id(%barrier3A)
    %dma_start3A_52 = arith.constant 0 : i32
    %dma_start3A_53 = tpu.memref_slice %arg7[%dma_start3A_52] : memref<10000xi32, #tpu.memory_space<vmem>> -> memref<40xi32, #tpu.memory_space<vmem>>
    %dma_start3A_54 = arith.constant 0 : i32
    %dma_start3A_55 = arith.constant 0 : i32
    %dma_start3A_56 = tpu.memref_slice %arg2[%dma_start3A_54, %dma_start3A_55] : memref<10000x128xf32, #tpu.memory_space<hbm>> -> memref<10000x128xf32, #tpu.memory_space<hbm>>
    tpu.enqueue_indirect_dma source(%dma_start3A_56 : memref<10000x128xf32, #tpu.memory_space<hbm>>) target(%arg13 : memref<40x128xf32, #tpu.memory_space<vmem>>) offsets(%dma_start3A_53 : memref<40xi32, #tpu.memory_space<vmem>>) semaphore(%arg25 : memref<!tpu.dma_semaphore, #tpu.memory_space<semaphore_mem>>)
    %dma_start3A_57 = arith.constant 40 : i32
    %dma_start3A_58 = tpu.memref_slice %arg7[%dma_start3A_57] : memref<10000xi32, #tpu.memory_space<vmem>> -> memref<40xi32, #tpu.memory_space<vmem>>
    %dma_start3A_59 = arith.constant 0 : i32
    %dma_start3A_60 = arith.constant 0 : i32
    %dma_start3A_61 = tpu.memref_slice %arg2[%dma_start3A_59, %dma_start3A_60] : memref<10000x128xf32, #tpu.memory_space<hbm>> -> memref<10000x128xf32, #tpu.memory_space<hbm>>
    tpu.enqueue_indirect_dma source(%dma_start3A_61 : memref<10000x128xf32, #tpu.memory_space<hbm>>) target(%arg14 : memref<40x128xf32, #tpu.memory_space<vmem>>) offsets(%dma_start3A_58 : memref<40xi32, #tpu.memory_space<vmem>>) semaphore(%arg26 : memref<!tpu.dma_semaphore, #tpu.memory_space<semaphore_mem>>)
    %dma_start3A_62 = arith.constant 80 : i32
    %dma_start3A_63 = tpu.memref_slice %arg7[%dma_start3A_62] : memref<10000xi32, #tpu.memory_space<vmem>> -> memref<40xi32, #tpu.memory_space<vmem>>
    %dma_start3A_64 = arith.constant 0 : i32
    %dma_start3A_65 = arith.constant 0 : i32
    %dma_start3A_66 = tpu.memref_slice %arg2[%dma_start3A_64, %dma_start3A_65] : memref<10000x128xf32, #tpu.memory_space<hbm>> -> memref<10000x128xf32, #tpu.memory_space<hbm>>
    tpu.enqueue_indirect_dma source(%dma_start3A_66 : memref<10000x128xf32, #tpu.memory_space<hbm>>) target(%arg15 : memref<40x128xf32, #tpu.memory_space<vmem>>) offsets(%dma_start3A_63 : memref<40xi32, #tpu.memory_space<vmem>>) semaphore(%arg27 : memref<!tpu.dma_semaphore, #tpu.memory_space<semaphore_mem>>)
    %dma_start3A_67 = arith.constant 120 : i32
    %dma_start3A_68 = tpu.memref_slice %arg7[%dma_start3A_67] : memref<10000xi32, #tpu.memory_space<vmem>> -> memref<40xi32, #tpu.memory_space<vmem>>
    %dma_start3A_69 = arith.constant 0 : i32
    %dma_start3A_70 = arith.constant 0 : i32
    %dma_start3A_71 = tpu.memref_slice %arg2[%dma_start3A_69, %dma_start3A_70] : memref<10000x128xf32, #tpu.memory_space<hbm>> -> memref<10000x128xf32, #tpu.memory_space<hbm>>
    tpu.enqueue_indirect_dma source(%dma_start3A_71 : memref<10000x128xf32, #tpu.memory_space<hbm>>) target(%arg16 : memref<40x128xf32, #tpu.memory_space<vmem>>) offsets(%dma_start3A_68 : memref<40xi32, #tpu.memory_space<vmem>>) semaphore(%arg28 : memref<!tpu.dma_semaphore, #tpu.memory_space<semaphore_mem>>)
    %dma_start3A_72 = arith.constant 160 : i32
    %dma_start3A_73 = tpu.memref_slice %arg7[%dma_start3A_72] : memref<10000xi32, #tpu.memory_space<vmem>> -> memref<40xi32, #tpu.memory_space<vmem>>
    %dma_start3A_74 = arith.constant 0 : i32
    %dma_start3A_75 = arith.constant 0 : i32
    %dma_start3A_76 = tpu.memref_slice %arg2[%dma_start3A_74, %dma_start3A_75] : memref<10000x128xf32, #tpu.memory_space<hbm>> -> memref<10000x128xf32, #tpu.memory_space<hbm>>
    tpu.enqueue_indirect_dma source(%dma_start3A_76 : memref<10000x128xf32, #tpu.memory_space<hbm>>) target(%arg17 : memref<40x128xf32, #tpu.memory_space<vmem>>) offsets(%dma_start3A_73 : memref<40xi32, #tpu.memory_space<vmem>>) semaphore(%arg29 : memref<!tpu.dma_semaphore, #tpu.memory_space<semaphore_mem>>)
    %scan3A = arith.constant 0 : i32
    %scan3A_77 = arith.constant 0 : i32
    %scan3A_78 = arith.constant 50 : i32
    %scan3A_79 = arith.addi %scan3A_77, %scan3A_78 : i32
    %scan3A_80 = arith.constant 1 : i32
    scf.for %scan3A_93 = %scan3A_77 to %scan3A_79 step %scan3A_80  : i32 {
      %mul3A_94 = arith.constant 5 : i32
      %mul3A_95 = arith.muli %scan3A_93, %mul3A_94 : i32
      %add3A_96 = arith.constant 0 : i32
      %add3A_97 = arith.addi %mul3A_95, %add3A_96 : i32
      %dma_wait3A_98 = arith.constant 0 : i32
      %dma_wait3A_99 = tpu.memref_slice %arg7[%dma_wait3A_98] : memref<10000xi32, #tpu.memory_space<vmem>> -> memref<40xi32, #tpu.memory_space<vmem>>
      %dma_wait3A_100 = arith.constant 0 : i32
      %dma_wait3A_101 = arith.constant 0 : i32
      %dma_wait3A_102 = tpu.memref_slice %arg2[%dma_wait3A_100, %dma_wait3A_101] : memref<10000x128xf32, #tpu.memory_space<hbm>> -> memref<10000x128xf32, #tpu.memory_space<hbm>>
      tpu.wait_indirect_dma semaphore(%arg25 : memref<!tpu.dma_semaphore, #tpu.memory_space<semaphore_mem>>) src(%dma_wait3A_102 : memref<10000x128xf32, #tpu.memory_space<hbm>>) dst(%arg13 : memref<40x128xf32, #tpu.memory_space<vmem>>)
      %dma_wait3A_103 = arith.constant 0 : i32
      %dma_wait3A_104 = arith.constant 0 : i32
      %dma_wait3A_105 = tpu.memref_slice %arg4[%add3A, %dma_wait3A_103, %dma_wait3A_104] : memref<32x250x40xi32, #tpu.memory_space<hbm>> -> memref<1x1x40xi32, #tpu.memory_space<hbm>>
      %dma_wait3A_106 = tpu.memref_squeeze %dma_wait3A_105 : memref<1x1x40xi32, #tpu.memory_space<hbm>> -> memref<40xi32, #tpu.memory_space<hbm>>
      %dma_wait3A_107 = arith.constant 0 : i32
      %dma_wait3A_108 = tpu.memref_slice %arg4[%add3A, %dma_wait3A_103, %dma_wait3A_107] : memref<32x250x40xi32, #tpu.memory_space<hbm>> -> memref<1x1x40xi32, #tpu.memory_space<hbm>>
      %dma_wait3A_109 = tpu.memref_squeeze %dma_wait3A_108 : memref<1x1x40xi32, #tpu.memory_space<hbm>> -> memref<40xi32, #tpu.memory_space<hbm>>
      tpu.wait_dma2 semaphore(%arg20 : memref<!tpu.dma_semaphore, #tpu.memory_space<semaphore_mem>>) src(%dma_wait3A_109 : memref<40xi32, #tpu.memory_space<hbm>>) dst(%arg8 : memref<40xi32, #tpu.memory_space<vmem>>)
      "tpu.region"() ({
        %run_scoped3A = tpu.sem_alloc : memref<!tpu.dma_semaphore, #tpu.memory_space<semaphore_mem>>
        %dma_start3A_209 = arith.constant 0 : i32
        %dma_start3A_210 = arith.constant 0 : i32
        %dma_start3A_211 = tpu.memref_slice %arg18[%dma_start3A_209, %dma_start3A_210] : memref<10000x128xf32, #tpu.memory_space<vmem_shared>> -> memref<10000x128xf32, #tpu.memory_space<vmem_shared>>
        tpu.enqueue_indirect_dma source(%arg13 : memref<40x128xf32, #tpu.memory_space<vmem>>) target(%dma_start3A_211 : memref<10000x128xf32, #tpu.memory_space<vmem_shared>>) offsets(%arg8 : memref<40xi32, #tpu.memory_space<vmem>>) semaphore(%run_scoped3A : memref<!tpu.dma_semaphore, #tpu.memory_space<semaphore_mem>>) {add = true}
        %dma_wait3A_212 = arith.constant 0 : i32
        %dma_wait3A_213 = arith.constant 0 : i32
        %dma_wait3A_214 = tpu.memref_slice %arg18[%dma_wait3A_212, %dma_wait3A_213] : memref<10000x128xf32, #tpu.memory_space<vmem_shared>> -> memref<10000x128xf32, #tpu.memory_space<vmem_shared>>
        tpu.wait_indirect_dma semaphore(%run_scoped3A : memref<!tpu.dma_semaphore, #tpu.memory_space<semaphore_mem>>) src(%arg13 : memref<40x128xf32, #tpu.memory_space<vmem>>) dst(%dma_wait3A_214 : memref<10000x128xf32, #tpu.memory_space<vmem_shared>>)
        tpu.yield
      }) : () -> ()
      %add3A_110 = arith.constant 5 : i32
      %add3A_111 = arith.addi %add3A_97, %add3A_110 : i32
      %lt3A_112 = arith.constant 250 : i32
      %lt3A_113 = arith.cmpi slt, %add3A_111, %lt3A_112 : i32
      %convert_element_type3A_114 = arith.extui %lt3A_113 : i1 to i32
      %cond3A_115 = arith.constant 0 : i32
      %cond3A_116 = arith.cmpi ne, %convert_element_type3A_114, %cond3A_115 : i32
      scf.if %cond3A_116 {
        %add3A_209 = arith.constant 5 : i32
        %add3A_210 = arith.addi %add3A_97, %add3A_209 : i32
        %dma_start3A_211 = arith.constant 0 : i32
        %dma_start3A_212 = tpu.memref_slice %arg4[%add3A, %add3A_210, %dma_start3A_211] : memref<32x250x40xi32, #tpu.memory_space<hbm>> -> memref<1x1x40xi32, #tpu.memory_space<hbm>>
        %dma_start3A_213 = tpu.memref_squeeze %dma_start3A_212 : memref<1x1x40xi32, #tpu.memory_space<hbm>> -> memref<40xi32, #tpu.memory_space<hbm>>
        %dma_start3A_214 = arith.constant 0 : i32
        %dma_start3A_215 = tpu.memref_slice %arg4[%add3A, %add3A_210, %dma_start3A_214] : memref<32x250x40xi32, #tpu.memory_space<hbm>> -> memref<1x1x40xi32, #tpu.memory_space<hbm>>
        %dma_start3A_216 = tpu.memref_squeeze %dma_start3A_215 : memref<1x1x40xi32, #tpu.memory_space<hbm>> -> memref<40xi32, #tpu.memory_space<hbm>>
        tpu.enqueue_dma source(%dma_start3A_216 : memref<40xi32, #tpu.memory_space<hbm>>) target(%arg8 : memref<40xi32, #tpu.memory_space<vmem>>) target_semaphore(%arg20 : memref<!tpu.dma_semaphore, #tpu.memory_space<semaphore_mem>>)
        %add3A_217 = arith.constant 5 : i32
        %add3A_218 = arith.addi %add3A_97, %add3A_217 : i32
        %mul3A_219 = arith.constant 40 : i32
        %mul3A_220 = arith.muli %add3A_218, %mul3A_219 : i32
        %dma_start3A_221 = tpu.memref_slice %arg7[%mul3A_220] : memref<10000xi32, #tpu.memory_space<vmem>> -> memref<40xi32, #tpu.memory_space<vmem>>
        %dma_start3A_222 = arith.constant 0 : i32
        %dma_start3A_223 = arith.constant 0 : i32
        %dma_start3A_224 = tpu.memref_slice %arg2[%dma_start3A_222, %dma_start3A_223] : memref<10000x128xf32, #tpu.memory_space<hbm>> -> memref<10000x128xf32, #tpu.memory_space<hbm>>
        tpu.enqueue_indirect_dma source(%dma_start3A_224 : memref<10000x128xf32, #tpu.memory_space<hbm>>) target(%arg13 : memref<40x128xf32, #tpu.memory_space<vmem>>) offsets(%dma_start3A_221 : memref<40xi32, #tpu.memory_space<vmem>>) semaphore(%arg25 : memref<!tpu.dma_semaphore, #tpu.memory_space<semaphore_mem>>)
      } else {
      }
      %mul3A_117 = arith.constant 5 : i32
      %mul3A_118 = arith.muli %scan3A_93, %mul3A_117 : i32
      %add3A_119 = arith.constant 1 : i32
      %add3A_120 = arith.addi %mul3A_118, %add3A_119 : i32
      %dma_wait3A_121 = arith.constant 0 : i32
      %dma_wait3A_122 = tpu.memref_slice %arg7[%dma_wait3A_121] : memref<10000xi32, #tpu.memory_space<vmem>> -> memref<40xi32, #tpu.memory_space<vmem>>
      %dma_wait3A_123 = arith.constant 0 : i32
      %dma_wait3A_124 = arith.constant 0 : i32
      %dma_wait3A_125 = tpu.memref_slice %arg2[%dma_wait3A_123, %dma_wait3A_124] : memref<10000x128xf32, #tpu.memory_space<hbm>> -> memref<10000x128xf32, #tpu.memory_space<hbm>>
      tpu.wait_indirect_dma semaphore(%arg26 : memref<!tpu.dma_semaphore, #tpu.memory_space<semaphore_mem>>) src(%dma_wait3A_125 : memref<10000x128xf32, #tpu.memory_space<hbm>>) dst(%arg14 : memref<40x128xf32, #tpu.memory_space<vmem>>)
      %dma_wait3A_126 = arith.constant 0 : i32
      %dma_wait3A_127 = arith.constant 0 : i32
      %dma_wait3A_128 = tpu.memref_slice %arg4[%add3A, %dma_wait3A_126, %dma_wait3A_127] : memref<32x250x40xi32, #tpu.memory_space<hbm>> -> memref<1x1x40xi32, #tpu.memory_space<hbm>>
      %dma_wait3A_129 = tpu.memref_squeeze %dma_wait3A_128 : memref<1x1x40xi32, #tpu.memory_space<hbm>> -> memref<40xi32, #tpu.memory_space<hbm>>
      %dma_wait3A_130 = arith.constant 0 : i32
      %dma_wait3A_131 = tpu.memref_slice %arg4[%add3A, %dma_wait3A_126, %dma_wait3A_130] : memref<32x250x40xi32, #tpu.memory_space<hbm>> -> memref<1x1x40xi32, #tpu.memory_space<hbm>>
      %dma_wait3A_132 = tpu.memref_squeeze %dma_wait3A_131 : memref<1x1x40xi32, #tpu.memory_space<hbm>> -> memref<40xi32, #tpu.memory_space<hbm>>
      tpu.wait_dma2 semaphore(%arg21 : memref<!tpu.dma_semaphore, #tpu.memory_space<semaphore_mem>>) src(%dma_wait3A_132 : memref<40xi32, #tpu.memory_space<hbm>>) dst(%arg9 : memref<40xi32, #tpu.memory_space<vmem>>)
      "tpu.region"() ({
        %run_scoped3A = tpu.sem_alloc : memref<!tpu.dma_semaphore, #tpu.memory_space<semaphore_mem>>
        %dma_start3A_209 = arith.constant 0 : i32
        %dma_start3A_210 = arith.constant 0 : i32
        %dma_start3A_211 = tpu.memref_slice %arg18[%dma_start3A_209, %dma_start3A_210] : memref<10000x128xf32, #tpu.memory_space<vmem_shared>> -> memref<10000x128xf32, #tpu.memory_space<vmem_shared>>
        tpu.enqueue_indirect_dma source(%arg14 : memref<40x128xf32, #tpu.memory_space<vmem>>) target(%dma_start3A_211 : memref<10000x128xf32, #tpu.memory_space<vmem_shared>>) offsets(%arg9 : memref<40xi32, #tpu.memory_space<vmem>>) semaphore(%run_scoped3A : memref<!tpu.dma_semaphore, #tpu.memory_space<semaphore_mem>>) {add = true}
        %dma_wait3A_212 = arith.constant 0 : i32
        %dma_wait3A_213 = arith.constant 0 : i32
        %dma_wait3A_214 = tpu.memref_slice %arg18[%dma_wait3A_212, %dma_wait3A_213] : memref<10000x128xf32, #tpu.memory_space<vmem_shared>> -> memref<10000x128xf32, #tpu.memory_space<vmem_shared>>
        tpu.wait_indirect_dma semaphore(%run_scoped3A : memref<!tpu.dma_semaphore, #tpu.memory_space<semaphore_mem>>) src(%arg14 : memref<40x128xf32, #tpu.memory_space<vmem>>) dst(%dma_wait3A_214 : memref<10000x128xf32, #tpu.memory_space<vmem_shared>>)
        tpu.yield
      }) : () -> ()
      %add3A_133 = arith.constant 5 : i32
      %add3A_134 = arith.addi %add3A_120, %add3A_133 : i32
      %lt3A_135 = arith.constant 250 : i32
      %lt3A_136 = arith.cmpi slt, %add3A_134, %lt3A_135 : i32
      %convert_element_type3A_137 = arith.extui %lt3A_136 : i1 to i32
      %cond3A_138 = arith.constant 0 : i32
      %cond3A_139 = arith.cmpi ne, %convert_element_type3A_137, %cond3A_138 : i32
      scf.if %cond3A_139 {
        %add3A_209 = arith.constant 5 : i32
        %add3A_210 = arith.addi %add3A_120, %add3A_209 : i32
        %dma_start3A_211 = arith.constant 0 : i32
        %dma_start3A_212 = tpu.memref_slice %arg4[%add3A, %add3A_210, %dma_start3A_211] : memref<32x250x40xi32, #tpu.memory_space<hbm>> -> memref<1x1x40xi32, #tpu.memory_space<hbm>>
        %dma_start3A_213 = tpu.memref_squeeze %dma_start3A_212 : memref<1x1x40xi32, #tpu.memory_space<hbm>> -> memref<40xi32, #tpu.memory_space<hbm>>
        %dma_start3A_214 = arith.constant 0 : i32
        %dma_start3A_215 = tpu.memref_slice %arg4[%add3A, %add3A_210, %dma_start3A_214] : memref<32x250x40xi32, #tpu.memory_space<hbm>> -> memref<1x1x40xi32, #tpu.memory_space<hbm>>
        %dma_start3A_216 = tpu.memref_squeeze %dma_start3A_215 : memref<1x1x40xi32, #tpu.memory_space<hbm>> -> memref<40xi32, #tpu.memory_space<hbm>>
        tpu.enqueue_dma source(%dma_start3A_216 : memref<40xi32, #tpu.memory_space<hbm>>) target(%arg9 : memref<40xi32, #tpu.memory_space<vmem>>) target_semaphore(%arg21 : memref<!tpu.dma_semaphore, #tpu.memory_space<semaphore_mem>>)
        %add3A_217 = arith.constant 5 : i32
        %add3A_218 = arith.addi %add3A_120, %add3A_217 : i32
        %mul3A_219 = arith.constant 40 : i32
        %mul3A_220 = arith.muli %add3A_218, %mul3A_219 : i32
        %dma_start3A_221 = tpu.memref_slice %arg7[%mul3A_220] : memref<10000xi32, #tpu.memory_space<vmem>> -> memref<40xi32, #tpu.memory_space<vmem>>
        %dma_start3A_222 = arith.constant 0 : i32
        %dma_start3A_223 = arith.constant 0 : i32
        %dma_start3A_224 = tpu.memref_slice %arg2[%dma_start3A_222, %dma_start3A_223] : memref<10000x128xf32, #tpu.memory_space<hbm>> -> memref<10000x128xf32, #tpu.memory_space<hbm>>
        tpu.enqueue_indirect_dma source(%dma_start3A_224 : memref<10000x128xf32, #tpu.memory_space<hbm>>) target(%arg14 : memref<40x128xf32, #tpu.memory_space<vmem>>) offsets(%dma_start3A_221 : memref<40xi32, #tpu.memory_space<vmem>>) semaphore(%arg26 : memref<!tpu.dma_semaphore, #tpu.memory_space<semaphore_mem>>)
      } else {
      }
      %mul3A_140 = arith.constant 5 : i32
      %mul3A_141 = arith.muli %scan3A_93, %mul3A_140 : i32
      %add3A_142 = arith.constant 2 : i32
      %add3A_143 = arith.addi %mul3A_141, %add3A_142 : i32
      %dma_wait3A_144 = arith.constant 0 : i32
      %dma_wait3A_145 = tpu.memref_slice %arg7[%dma_wait3A_144] : memref<10000xi32, #tpu.memory_space<vmem>> -> memref<40xi32, #tpu.memory_space<vmem>>
      %dma_wait3A_146 = arith.constant 0 : i32
      %dma_wait3A_147 = arith.constant 0 : i32
      %dma_wait3A_148 = tpu.memref_slice %arg2[%dma_wait3A_146, %dma_wait3A_147] : memref<10000x128xf32, #tpu.memory_space<hbm>> -> memref<10000x128xf32, #tpu.memory_space<hbm>>
      tpu.wait_indirect_dma semaphore(%arg27 : memref<!tpu.dma_semaphore, #tpu.memory_space<semaphore_mem>>) src(%dma_wait3A_148 : memref<10000x128xf32, #tpu.memory_space<hbm>>) dst(%arg15 : memref<40x128xf32, #tpu.memory_space<vmem>>)
      %dma_wait3A_149 = arith.constant 0 : i32
      %dma_wait3A_150 = arith.constant 0 : i32
      %dma_wait3A_151 = tpu.memref_slice %arg4[%add3A, %dma_wait3A_149, %dma_wait3A_150] : memref<32x250x40xi32, #tpu.memory_space<hbm>> -> memref<1x1x40xi32, #tpu.memory_space<hbm>>
      %dma_wait3A_152 = tpu.memref_squeeze %dma_wait3A_151 : memref<1x1x40xi32, #tpu.memory_space<hbm>> -> memref<40xi32, #tpu.memory_space<hbm>>
      %dma_wait3A_153 = arith.constant 0 : i32
      %dma_wait3A_154 = tpu.memref_slice %arg4[%add3A, %dma_wait3A_149, %dma_wait3A_153] : memref<32x250x40xi32, #tpu.memory_space<hbm>> -> memref<1x1x40xi32, #tpu.memory_space<hbm>>
      %dma_wait3A_155 = tpu.memref_squeeze %dma_wait3A_154 : memref<1x1x40xi32, #tpu.memory_space<hbm>> -> memref<40xi32, #tpu.memory_space<hbm>>
      tpu.wait_dma2 semaphore(%arg22 : memref<!tpu.dma_semaphore, #tpu.memory_space<semaphore_mem>>) src(%dma_wait3A_155 : memref<40xi32, #tpu.memory_space<hbm>>) dst(%arg10 : memref<40xi32, #tpu.memory_space<vmem>>)
      "tpu.region"() ({
        %run_scoped3A = tpu.sem_alloc : memref<!tpu.dma_semaphore, #tpu.memory_space<semaphore_mem>>
        %dma_start3A_209 = arith.constant 0 : i32
        %dma_start3A_210 = arith.constant 0 : i32
        %dma_start3A_211 = tpu.memref_slice %arg18[%dma_start3A_209, %dma_start3A_210] : memref<10000x128xf32, #tpu.memory_space<vmem_shared>> -> memref<10000x128xf32, #tpu.memory_space<vmem_shared>>
        tpu.enqueue_indirect_dma source(%arg15 : memref<40x128xf32, #tpu.memory_space<vmem>>) target(%dma_start3A_211 : memref<10000x128xf32, #tpu.memory_space<vmem_shared>>) offsets(%arg10 : memref<40xi32, #tpu.memory_space<vmem>>) semaphore(%run_scoped3A : memref<!tpu.dma_semaphore, #tpu.memory_space<semaphore_mem>>) {add = true}
        %dma_wait3A_212 = arith.constant 0 : i32
        %dma_wait3A_213 = arith.constant 0 : i32
        %dma_wait3A_214 = tpu.memref_slice %arg18[%dma_wait3A_212, %dma_wait3A_213] : memref<10000x128xf32, #tpu.memory_space<vmem_shared>> -> memref<10000x128xf32, #tpu.memory_space<vmem_shared>>
        tpu.wait_indirect_dma semaphore(%run_scoped3A : memref<!tpu.dma_semaphore, #tpu.memory_space<semaphore_mem>>) src(%arg15 : memref<40x128xf32, #tpu.memory_space<vmem>>) dst(%dma_wait3A_214 : memref<10000x128xf32, #tpu.memory_space<vmem_shared>>)
        tpu.yield
      }) : () -> ()
      %add3A_156 = arith.constant 5 : i32
      %add3A_157 = arith.addi %add3A_143, %add3A_156 : i32
      %lt3A_158 = arith.constant 250 : i32
      %lt3A_159 = arith.cmpi slt, %add3A_157, %lt3A_158 : i32
      %convert_element_type3A_160 = arith.extui %lt3A_159 : i1 to i32
      %cond3A_161 = arith.constant 0 : i32
      %cond3A_162 = arith.cmpi ne, %convert_element_type3A_160, %cond3A_161 : i32
      scf.if %cond3A_162 {
        %add3A_209 = arith.constant 5 : i32
        %add3A_210 = arith.addi %add3A_143, %add3A_209 : i32
        %dma_start3A_211 = arith.constant 0 : i32
        %dma_start3A_212 = tpu.memref_slice %arg4[%add3A, %add3A_210, %dma_start3A_211] : memref<32x250x40xi32, #tpu.memory_space<hbm>> -> memref<1x1x40xi32, #tpu.memory_space<hbm>>
        %dma_start3A_213 = tpu.memref_squeeze %dma_start3A_212 : memref<1x1x40xi32, #tpu.memory_space<hbm>> -> memref<40xi32, #tpu.memory_space<hbm>>
        %dma_start3A_214 = arith.constant 0 : i32
        %dma_start3A_215 = tpu.memref_slice %arg4[%add3A, %add3A_210, %dma_start3A_214] : memref<32x250x40xi32, #tpu.memory_space<hbm>> -> memref<1x1x40xi32, #tpu.memory_space<hbm>>
        %dma_start3A_216 = tpu.memref_squeeze %dma_start3A_215 : memref<1x1x40xi32, #tpu.memory_space<hbm>> -> memref<40xi32, #tpu.memory_space<hbm>>
        tpu.enqueue_dma source(%dma_start3A_216 : memref<40xi32, #tpu.memory_space<hbm>>) target(%arg10 : memref<40xi32, #tpu.memory_space<vmem>>) target_semaphore(%arg22 : memref<!tpu.dma_semaphore, #tpu.memory_space<semaphore_mem>>)
        %add3A_217 = arith.constant 5 : i32
        %add3A_218 = arith.addi %add3A_143, %add3A_217 : i32
        %mul3A_219 = arith.constant 40 : i32
        %mul3A_220 = arith.muli %add3A_218, %mul3A_219 : i32
        %dma_start3A_221 = tpu.memref_slice %arg7[%mul3A_220] : memref<10000xi32, #tpu.memory_space<vmem>> -> memref<40xi32, #tpu.memory_space<vmem>>
        %dma_start3A_222 = arith.constant 0 : i32
        %dma_start3A_223 = arith.constant 0 : i32
        %dma_start3A_224 = tpu.memref_slice %arg2[%dma_start3A_222, %dma_start3A_223] : memref<10000x128xf32, #tpu.memory_space<hbm>> -> memref<10000x128xf32, #tpu.memory_space<hbm>>
        tpu.enqueue_indirect_dma source(%dma_start3A_224 : memref<10000x128xf32, #tpu.memory_space<hbm>>) target(%arg15 : memref<40x128xf32, #tpu.memory_space<vmem>>) offsets(%dma_start3A_221 : memref<40xi32, #tpu.memory_space<vmem>>) semaphore(%arg27 : memref<!tpu.dma_semaphore, #tpu.memory_space<semaphore_mem>>)
      } else {
      }
      %mul3A_163 = arith.constant 5 : i32
      %mul3A_164 = arith.muli %scan3A_93, %mul3A_163 : i32
      %add3A_165 = arith.constant 3 : i32
      %add3A_166 = arith.addi %mul3A_164, %add3A_165 : i32
      %dma_wait3A_167 = arith.constant 0 : i32
      %dma_wait3A_168 = tpu.memref_slice %arg7[%dma_wait3A_167] : memref<10000xi32, #tpu.memory_space<vmem>> -> memref<40xi32, #tpu.memory_space<vmem>>
      %dma_wait3A_169 = arith.constant 0 : i32
      %dma_wait3A_170 = arith.constant 0 : i32
      %dma_wait3A_171 = tpu.memref_slice %arg2[%dma_wait3A_169, %dma_wait3A_170] : memref<10000x128xf32, #tpu.memory_space<hbm>> -> memref<10000x128xf32, #tpu.memory_space<hbm>>
      tpu.wait_indirect_dma semaphore(%arg28 : memref<!tpu.dma_semaphore, #tpu.memory_space<semaphore_mem>>) src(%dma_wait3A_171 : memref<10000x128xf32, #tpu.memory_space<hbm>>) dst(%arg16 : memref<40x128xf32, #tpu.memory_space<vmem>>)
      %dma_wait3A_172 = arith.constant 0 : i32
      %dma_wait3A_173 = arith.constant 0 : i32
      %dma_wait3A_174 = tpu.memref_slice %arg4[%add3A, %dma_wait3A_172, %dma_wait3A_173] : memref<32x250x40xi32, #tpu.memory_space<hbm>> -> memref<1x1x40xi32, #tpu.memory_space<hbm>>
      %dma_wait3A_175 = tpu.memref_squeeze %dma_wait3A_174 : memref<1x1x40xi32, #tpu.memory_space<hbm>> -> memref<40xi32, #tpu.memory_space<hbm>>
      %dma_wait3A_176 = arith.constant 0 : i32
      %dma_wait3A_177 = tpu.memref_slice %arg4[%add3A, %dma_wait3A_172, %dma_wait3A_176] : memref<32x250x40xi32, #tpu.memory_space<hbm>> -> memref<1x1x40xi32, #tpu.memory_space<hbm>>
      %dma_wait3A_178 = tpu.memref_squeeze %dma_wait3A_177 : memref<1x1x40xi32, #tpu.memory_space<hbm>> -> memref<40xi32, #tpu.memory_space<hbm>>
      tpu.wait_dma2 semaphore(%arg23 : memref<!tpu.dma_semaphore, #tpu.memory_space<semaphore_mem>>) src(%dma_wait3A_178 : memref<40xi32, #tpu.memory_space<hbm>>) dst(%arg11 : memref<40xi32, #tpu.memory_space<vmem>>)
      "tpu.region"() ({
        %run_scoped3A = tpu.sem_alloc : memref<!tpu.dma_semaphore, #tpu.memory_space<semaphore_mem>>
        %dma_start3A_209 = arith.constant 0 : i32
        %dma_start3A_210 = arith.constant 0 : i32
        %dma_start3A_211 = tpu.memref_slice %arg18[%dma_start3A_209, %dma_start3A_210] : memref<10000x128xf32, #tpu.memory_space<vmem_shared>> -> memref<10000x128xf32, #tpu.memory_space<vmem_shared>>
        tpu.enqueue_indirect_dma source(%arg16 : memref<40x128xf32, #tpu.memory_space<vmem>>) target(%dma_start3A_211 : memref<10000x128xf32, #tpu.memory_space<vmem_shared>>) offsets(%arg11 : memref<40xi32, #tpu.memory_space<vmem>>) semaphore(%run_scoped3A : memref<!tpu.dma_semaphore, #tpu.memory_space<semaphore_mem>>) {add = true}
        %dma_wait3A_212 = arith.constant 0 : i32
        %dma_wait3A_213 = arith.constant 0 : i32
        %dma_wait3A_214 = tpu.memref_slice %arg18[%dma_wait3A_212, %dma_wait3A_213] : memref<10000x128xf32, #tpu.memory_space<vmem_shared>> -> memref<10000x128xf32, #tpu.memory_space<vmem_shared>>
        tpu.wait_indirect_dma semaphore(%run_scoped3A : memref<!tpu.dma_semaphore, #tpu.memory_space<semaphore_mem>>) src(%arg16 : memref<40x128xf32, #tpu.memory_space<vmem>>) dst(%dma_wait3A_214 : memref<10000x128xf32, #tpu.memory_space<vmem_shared>>)
        tpu.yield
      }) : () -> ()
      %add3A_179 = arith.constant 5 : i32
      %add3A_180 = arith.addi %add3A_166, %add3A_179 : i32
      %lt3A_181 = arith.constant 250 : i32
      %lt3A_182 = arith.cmpi slt, %add3A_180, %lt3A_181 : i32
      %convert_element_type3A_183 = arith.extui %lt3A_182 : i1 to i32
      %cond3A_184 = arith.constant 0 : i32
      %cond3A_185 = arith.cmpi ne, %convert_element_type3A_183, %cond3A_184 : i32
      scf.if %cond3A_185 {
        %add3A_209 = arith.constant 5 : i32
        %add3A_210 = arith.addi %add3A_166, %add3A_209 : i32
        %dma_start3A_211 = arith.constant 0 : i32
        %dma_start3A_212 = tpu.memref_slice %arg4[%add3A, %add3A_210, %dma_start3A_211] : memref<32x250x40xi32, #tpu.memory_space<hbm>> -> memref<1x1x40xi32, #tpu.memory_space<hbm>>
        %dma_start3A_213 = tpu.memref_squeeze %dma_start3A_212 : memref<1x1x40xi32, #tpu.memory_space<hbm>> -> memref<40xi32, #tpu.memory_space<hbm>>
        %dma_start3A_214 = arith.constant 0 : i32
        %dma_start3A_215 = tpu.memref_slice %arg4[%add3A, %add3A_210, %dma_start3A_214] : memref<32x250x40xi32, #tpu.memory_space<hbm>> -> memref<1x1x40xi32, #tpu.memory_space<hbm>>
        %dma_start3A_216 = tpu.memref_squeeze %dma_start3A_215 : memref<1x1x40xi32, #tpu.memory_space<hbm>> -> memref<40xi32, #tpu.memory_space<hbm>>
        tpu.enqueue_dma source(%dma_start3A_216 : memref<40xi32, #tpu.memory_space<hbm>>) target(%arg11 : memref<40xi32, #tpu.memory_space<vmem>>) target_semaphore(%arg23 : memref<!tpu.dma_semaphore, #tpu.memory_space<semaphore_mem>>)
        %add3A_217 = arith.constant 5 : i32
        %add3A_218 = arith.addi %add3A_166, %add3A_217 : i32
        %mul3A_219 = arith.constant 40 : i32
        %mul3A_220 = arith.muli %add3A_218, %mul3A_219 : i32
        %dma_start3A_221 = tpu.memref_slice %arg7[%mul3A_220] : memref<10000xi32, #tpu.memory_space<vmem>> -> memref<40xi32, #tpu.memory_space<vmem>>
        %dma_start3A_222 = arith.constant 0 : i32
        %dma_start3A_223 = arith.constant 0 : i32
        %dma_start3A_224 = tpu.memref_slice %arg2[%dma_start3A_222, %dma_start3A_223] : memref<10000x128xf32, #tpu.memory_space<hbm>> -> memref<10000x128xf32, #tpu.memory_space<hbm>>
        tpu.enqueue_indirect_dma source(%dma_start3A_224 : memref<10000x128xf32, #tpu.memory_space<hbm>>) target(%arg16 : memref<40x128xf32, #tpu.memory_space<vmem>>) offsets(%dma_start3A_221 : memref<40xi32, #tpu.memory_space<vmem>>) semaphore(%arg28 : memref<!tpu.dma_semaphore, #tpu.memory_space<semaphore_mem>>)
      } else {
      }
      %mul3A_186 = arith.constant 5 : i32
      %mul3A_187 = arith.muli %scan3A_93, %mul3A_186 : i32
      %add3A_188 = arith.constant 4 : i32
      %add3A_189 = arith.addi %mul3A_187, %add3A_188 : i32
      %dma_wait3A_190 = arith.constant 0 : i32
      %dma_wait3A_191 = tpu.memref_slice %arg7[%dma_wait3A_190] : memref<10000xi32, #tpu.memory_space<vmem>> -> memref<40xi32, #tpu.memory_space<vmem>>
      %dma_wait3A_192 = arith.constant 0 : i32
      %dma_wait3A_193 = arith.constant 0 : i32
      %dma_wait3A_194 = tpu.memref_slice %arg2[%dma_wait3A_192, %dma_wait3A_193] : memref<10000x128xf32, #tpu.memory_space<hbm>> -> memref<10000x128xf32, #tpu.memory_space<hbm>>
      tpu.wait_indirect_dma semaphore(%arg29 : memref<!tpu.dma_semaphore, #tpu.memory_space<semaphore_mem>>) src(%dma_wait3A_194 : memref<10000x128xf32, #tpu.memory_space<hbm>>) dst(%arg17 : memref<40x128xf32, #tpu.memory_space<vmem>>)
      %dma_wait3A_195 = arith.constant 0 : i32
      %dma_wait3A_196 = arith.constant 0 : i32
      %dma_wait3A_197 = tpu.memref_slice %arg4[%add3A, %dma_wait3A_195, %dma_wait3A_196] : memref<32x250x40xi32, #tpu.memory_space<hbm>> -> memref<1x1x40xi32, #tpu.memory_space<hbm>>
      %dma_wait3A_198 = tpu.memref_squeeze %dma_wait3A_197 : memref<1x1x40xi32, #tpu.memory_space<hbm>> -> memref<40xi32, #tpu.memory_space<hbm>>
      %dma_wait3A_199 = arith.constant 0 : i32
      %dma_wait3A_200 = tpu.memref_slice %arg4[%add3A, %dma_wait3A_195, %dma_wait3A_199] : memref<32x250x40xi32, #tpu.memory_space<hbm>> -> memref<1x1x40xi32, #tpu.memory_space<hbm>>
      %dma_wait3A_201 = tpu.memref_squeeze %dma_wait3A_200 : memref<1x1x40xi32, #tpu.memory_space<hbm>> -> memref<40xi32, #tpu.memory_space<hbm>>
      tpu.wait_dma2 semaphore(%arg24 : memref<!tpu.dma_semaphore, #tpu.memory_space<semaphore_mem>>) src(%dma_wait3A_201 : memref<40xi32, #tpu.memory_space<hbm>>) dst(%arg12 : memref<40xi32, #tpu.memory_space<vmem>>)
      "tpu.region"() ({
        %run_scoped3A = tpu.sem_alloc : memref<!tpu.dma_semaphore, #tpu.memory_space<semaphore_mem>>
        %dma_start3A_209 = arith.constant 0 : i32
        %dma_start3A_210 = arith.constant 0 : i32
        %dma_start3A_211 = tpu.memref_slice %arg18[%dma_start3A_209, %dma_start3A_210] : memref<10000x128xf32, #tpu.memory_space<vmem_shared>> -> memref<10000x128xf32, #tpu.memory_space<vmem_shared>>
        tpu.enqueue_indirect_dma source(%arg17 : memref<40x128xf32, #tpu.memory_space<vmem>>) target(%dma_start3A_211 : memref<10000x128xf32, #tpu.memory_space<vmem_shared>>) offsets(%arg12 : memref<40xi32, #tpu.memory_space<vmem>>) semaphore(%run_scoped3A : memref<!tpu.dma_semaphore, #tpu.memory_space<semaphore_mem>>) {add = true}
        %dma_wait3A_212 = arith.constant 0 : i32
        %dma_wait3A_213 = arith.constant 0 : i32
        %dma_wait3A_214 = tpu.memref_slice %arg18[%dma_wait3A_212, %dma_wait3A_213] : memref<10000x128xf32, #tpu.memory_space<vmem_shared>> -> memref<10000x128xf32, #tpu.memory_space<vmem_shared>>
        tpu.wait_indirect_dma semaphore(%run_scoped3A : memref<!tpu.dma_semaphore, #tpu.memory_space<semaphore_mem>>) src(%arg17 : memref<40x128xf32, #tpu.memory_space<vmem>>) dst(%dma_wait3A_214 : memref<10000x128xf32, #tpu.memory_space<vmem_shared>>)
        tpu.yield
      }) : () -> ()
      %add3A_202 = arith.constant 5 : i32
      %add3A_203 = arith.addi %add3A_189, %add3A_202 : i32
      %lt3A_204 = arith.constant 250 : i32
      %lt3A_205 = arith.cmpi slt, %add3A_203, %lt3A_204 : i32
      %convert_element_type3A_206 = arith.extui %lt3A_205 : i1 to i32
      %cond3A_207 = arith.constant 0 : i32
      %cond3A_208 = arith.cmpi ne, %convert_element_type3A_206, %cond3A_207 : i32
      scf.if %cond3A_208 {
        %add3A_209 = arith.constant 5 : i32
        %add3A_210 = arith.addi %add3A_189, %add3A_209 : i32
        %dma_start3A_211 = arith.constant 0 : i32
        %dma_start3A_212 = tpu.memref_slice %arg4[%add3A, %add3A_210, %dma_start3A_211] : memref<32x250x40xi32, #tpu.memory_space<hbm>> -> memref<1x1x40xi32, #tpu.memory_space<hbm>>
        %dma_start3A_213 = tpu.memref_squeeze %dma_start3A_212 : memref<1x1x40xi32, #tpu.memory_space<hbm>> -> memref<40xi32, #tpu.memory_space<hbm>>
        %dma_start3A_214 = arith.constant 0 : i32
        %dma_start3A_215 = tpu.memref_slice %arg4[%add3A, %add3A_210, %dma_start3A_214] : memref<32x250x40xi32, #tpu.memory_space<hbm>> -> memref<1x1x40xi32, #tpu.memory_space<hbm>>
        %dma_start3A_216 = tpu.memref_squeeze %dma_start3A_215 : memref<1x1x40xi32, #tpu.memory_space<hbm>> -> memref<40xi32, #tpu.memory_space<hbm>>
        tpu.enqueue_dma source(%dma_start3A_216 : memref<40xi32, #tpu.memory_space<hbm>>) target(%arg12 : memref<40xi32, #tpu.memory_space<vmem>>) target_semaphore(%arg24 : memref<!tpu.dma_semaphore, #tpu.memory_space<semaphore_mem>>)
        %add3A_217 = arith.constant 5 : i32
        %add3A_218 = arith.addi %add3A_189, %add3A_217 : i32
        %mul3A_219 = arith.constant 40 : i32
        %mul3A_220 = arith.muli %add3A_218, %mul3A_219 : i32
        %dma_start3A_221 = tpu.memref_slice %arg7[%mul3A_220] : memref<10000xi32, #tpu.memory_space<vmem>> -> memref<40xi32, #tpu.memory_space<vmem>>
        %dma_start3A_222 = arith.constant 0 : i32
        %dma_start3A_223 = arith.constant 0 : i32
        %dma_start3A_224 = tpu.memref_slice %arg2[%dma_start3A_222, %dma_start3A_223] : memref<10000x128xf32, #tpu.memory_space<hbm>> -> memref<10000x128xf32, #tpu.memory_space<hbm>>
        tpu.enqueue_indirect_dma source(%dma_start3A_224 : memref<10000x128xf32, #tpu.memory_space<hbm>>) target(%arg17 : memref<40x128xf32, #tpu.memory_space<vmem>>) offsets(%dma_start3A_221 : memref<40xi32, #tpu.memory_space<vmem>>) semaphore(%arg29 : memref<!tpu.dma_semaphore, #tpu.memory_space<semaphore_mem>>)
      } else {
      }
    }
    %scan3A_81 = arith.constant 50 : i32
    %barrier3A_82 = arith.constant 0 : index
    tpu.barrier barrier_id(%barrier3A_82)
    %lt3A_83 = arith.constant 15 : i32
    %lt3A_84 = arith.cmpi slt, %arg1, %lt3A_83 : i32
    %convert_element_type3A_85 = arith.extui %lt3A_84 : i1 to i32
    %cond3A_86 = arith.constant 0 : i32
    %cond3A_87 = arith.cmpi ne, %convert_element_type3A_85, %cond3A_86 : i32
    scf.if %cond3A_87 {
      %mul3A_93 = arith.constant 632 : i32
      %mul3A_94 = arith.muli %arg1, %mul3A_93 : i32
      %mul3A_95 = arith.constant 632 : i32
      %mul3A_96 = arith.muli %arg1, %mul3A_95 : i32
      "tpu.region"() ({
        %run_scoped3A = tpu.sem_alloc : memref<!tpu.dma_semaphore, #tpu.memory_space<semaphore_mem>>
        %dma_start3A_97 = arith.constant 0 : i32
        %dma_start3A_98 = tpu.memref_slice %arg6[%arg0, %mul3A_96, %dma_start3A_97] : memref<2x10000x128xf32, #tpu.memory_space<hbm>> -> memref<1x632x128xf32, #tpu.memory_space<hbm>>
        %dma_start3A_99 = tpu.memref_squeeze %dma_start3A_98 : memref<1x632x128xf32, #tpu.memory_space<hbm>> -> memref<632x128xf32, #tpu.memory_space<hbm>>
        %dma_start3A_100 = arith.constant 0 : i32
        %dma_start3A_101 = tpu.memref_slice %arg18[%mul3A_94, %dma_start3A_100] : memref<10000x128xf32, #tpu.memory_space<vmem_shared>> -> memref<632x128xf32, #tpu.memory_space<vmem_shared>>
        tpu.enqueue_dma source(%dma_start3A_101 : memref<632x128xf32, #tpu.memory_space<vmem_shared>>) target(%dma_start3A_99 : memref<632x128xf32, #tpu.memory_space<hbm>>) target_semaphore(%run_scoped3A : memref<!tpu.dma_semaphore, #tpu.memory_space<semaphore_mem>>)
        %dma_wait3A_102 = arith.constant 0 : i32
        %dma_wait3A_103 = tpu.memref_slice %arg6[%arg0, %mul3A_96, %dma_wait3A_102] : memref<2x10000x128xf32, #tpu.memory_space<hbm>> -> memref<1x632x128xf32, #tpu.memory_space<hbm>>
        %dma_wait3A_104 = tpu.memref_squeeze %dma_wait3A_103 : memref<1x632x128xf32, #tpu.memory_space<hbm>> -> memref<632x128xf32, #tpu.memory_space<hbm>>
        %dma_wait3A_105 = arith.constant 0 : i32
        %dma_wait3A_106 = tpu.memref_slice %arg18[%mul3A_94, %dma_wait3A_105] : memref<10000x128xf32, #tpu.memory_space<vmem_shared>> -> memref<632x128xf32, #tpu.memory_space<vmem_shared>>
        tpu.wait_dma2 semaphore(%run_scoped3A : memref<!tpu.dma_semaphore, #tpu.memory_space<semaphore_mem>>) src(%dma_wait3A_106 : memref<632x128xf32, #tpu.memory_space<vmem_shared>>) dst(%dma_wait3A_104 : memref<632x128xf32, #tpu.memory_space<hbm>>)
        tpu.yield
      }) : () -> ()
    } else {
    }
    %eq3A_88 = arith.constant 15 : i32
    %eq3A_89 = arith.cmpi eq, %arg1, %eq3A_88 : i32
    %convert_element_type3A_90 = arith.extui %eq3A_89 : i1 to i32
    %cond3A_91 = arith.constant 0 : i32
    %cond3A_92 = arith.cmpi ne, %convert_element_type3A_90, %cond3A_91 : i32
    scf.if %cond3A_92 {
      "tpu.region"() ({
        %run_scoped3A = tpu.sem_alloc : memref<!tpu.dma_semaphore, #tpu.memory_space<semaphore_mem>>
        %dma_start3A_93 = arith.constant 9480 : i32
        %dma_start3A_94 = arith.constant 0 : i32
        %dma_start3A_95 = tpu.memref_slice %arg6[%arg0, %dma_start3A_93, %dma_start3A_94] : memref<2x10000x128xf32, #tpu.memory_space<hbm>> -> memref<1x520x128xf32, #tpu.memory_space<hbm>>
        %dma_start3A_96 = tpu.memref_squeeze %dma_start3A_95 : memref<1x520x128xf32, #tpu.memory_space<hbm>> -> memref<520x128xf32, #tpu.memory_space<hbm>>
        %dma_start3A_97 = arith.constant 9480 : i32
        %dma_start3A_98 = arith.constant 0 : i32
        %dma_start3A_99 = tpu.memref_slice %arg18[%dma_start3A_97, %dma_start3A_98] : memref<10000x128xf32, #tpu.memory_space<vmem_shared>> -> memref<520x128xf32, #tpu.memory_space<vmem_shared>>
        tpu.enqueue_dma source(%dma_start3A_99 : memref<520x128xf32, #tpu.memory_space<vmem_shared>>) target(%dma_start3A_96 : memref<520x128xf32, #tpu.memory_space<hbm>>) target_semaphore(%run_scoped3A : memref<!tpu.dma_semaphore, #tpu.memory_space<semaphore_mem>>)
        %dma_wait3A_100 = arith.constant 9480 : i32
        %dma_wait3A_101 = arith.constant 0 : i32
        %dma_wait3A_102 = tpu.memref_slice %arg6[%arg0, %dma_wait3A_100, %dma_wait3A_101] : memref<2x10000x128xf32, #tpu.memory_space<hbm>> -> memref<1x520x128xf32, #tpu.memory_space<hbm>>
        %dma_wait3A_103 = tpu.memref_squeeze %dma_wait3A_102 : memref<1x520x128xf32, #tpu.memory_space<hbm>> -> memref<520x128xf32, #tpu.memory_space<hbm>>
        %dma_wait3A_104 = arith.constant 9480 : i32
        %dma_wait3A_105 = arith.constant 0 : i32
        %dma_wait3A_106 = tpu.memref_slice %arg18[%dma_wait3A_104, %dma_wait3A_105] : memref<10000x128xf32, #tpu.memory_space<vmem_shared>> -> memref<520x128xf32, #tpu.memory_space<vmem_shared>>
        tpu.wait_dma2 semaphore(%run_scoped3A : memref<!tpu.dma_semaphore, #tpu.memory_space<semaphore_mem>>) src(%dma_wait3A_106 : memref<520x128xf32, #tpu.memory_space<vmem_shared>>) dst(%dma_wait3A_103 : memref<520x128xf32, #tpu.memory_space<hbm>>)
        tpu.yield
      }) : () -> ()
    } else {
    }
    return
  }
}

module attributes {stable_mosaic.version = 14 : i64} {
  func.func @body(%arg0: i32, %arg1: memref<1x2000x128xf32, #tpu.memory_space<vmem>>, %arg2: memref<1x2000x128xf32, #tpu.memory_space<vmem>>, %arg3: memref<2000x128xf32, #tpu.memory_space<vmem>>, %arg4: memref<128x128xf32, #tpu.memory_space<vmem>>, %arg5: memref<1x128xf32, #tpu.memory_space<vmem>>, %arg6: memref<128x128xf32, #tpu.memory_space<vmem>>, %arg7: memref<1x128xf32, #tpu.memory_space<vmem>>, %arg8: memref<2000x128xf32, #tpu.memory_space<vmem>>) attributes {dimension_semantics = [#tpu.dimension_semantics<arbitrary>], iteration_bounds = array<i64: 5>, scalar_prefetch = 0 : i64, scratch_operands = 0 : i64, tpu.core_type = #tpu.core_type<tc>, window_params = [{transform_indices = @transform_0, window_bounds = array<i64: 1, 2000, 128>}, {transform_indices = @transform_1, window_bounds = array<i64: 1, 2000, 128>}, {transform_indices = @transform_2, window_bounds = array<i64: 2000, 128>}, {pipeline_mode = #tpu.pipeline_mode<synchronous>, transform_indices = @transform_3, window_bounds = array<i64: 128, 128>}, {pipeline_mode = #tpu.pipeline_mode<synchronous>, transform_indices = @transform_4, window_bounds = array<i64: 1, 128>}, {pipeline_mode = #tpu.pipeline_mode<synchronous>, transform_indices = @transform_5, window_bounds = array<i64: 128, 128>}, {pipeline_mode = #tpu.pipeline_mode<synchronous>, transform_indices = @transform_6, window_bounds = array<i64: 1, 128>}, {transform_indices = @transform_7, window_bounds = array<i64: 2000, 128>}]} {
    %get3A = arith.constant 0 : index
    %get3A_0 = arith.constant 0 : index
    %get3A_1 = arith.constant 0 : index
    %get3A_2 = vector.load %arg1[%get3A, %get3A_0, %get3A_1] : memref<1x2000x128xf32, #tpu.memory_space<vmem>>, vector<1x2000x128xf32>
    %get3A_3 = vector.shape_cast %get3A_2 : vector<1x2000x128xf32> to vector<2000x128xf32>
    %get3A_4 = arith.constant 0 : index
    %get3A_5 = arith.constant 0 : index
    %get3A_6 = arith.constant 0 : index
    %get3A_7 = vector.load %arg2[%get3A_4, %get3A_5, %get3A_6] : memref<1x2000x128xf32, #tpu.memory_space<vmem>>, vector<1x2000x128xf32>
    %get3A_8 = vector.shape_cast %get3A_7 : vector<1x2000x128xf32> to vector<2000x128xf32>
    %add3A = arith.addf %get3A_3, %get3A_8 : vector<2000x128xf32>
    %get3A_9 = arith.constant 0 : index
    %get3A_10 = arith.constant 0 : index
    %get3A_11 = vector.load %arg3[%get3A_9, %get3A_10] : memref<2000x128xf32, #tpu.memory_space<vmem>>, vector<2000x128xf32>
    %add3A_12 = arith.addf %add3A, %get3A_11 : vector<2000x128xf32>
    %get3A_13 = arith.constant 0 : index
    %get3A_14 = arith.constant 0 : index
    %get3A_15 = vector.load %arg4[%get3A_13, %get3A_14] : memref<128x128xf32, #tpu.memory_space<vmem>>, vector<128x128xf32>
    %dot_general3A = arith.constant dense<0.000000e+00> : vector<2000x128xf32>
    %dot_general3A_16 = tpu.matmul %add3A_12, %get3A_15, %dot_general3A {dimension_numbers = #tpu.dot_dimension_numbers<[1], [0], [0], [1], [0, 0, 1, 1], [], []>, transpose_lhs_hint = false} : vector<2000x128xf32>, vector<128x128xf32>, vector<2000x128xf32> -> vector<2000x128xf32>
    %get3A_17 = arith.constant 0 : index
    %get3A_18 = arith.constant 0 : index
    %get3A_19 = vector.load %arg5[%get3A_17, %get3A_18] : memref<1x128xf32, #tpu.memory_space<vmem>>, vector<1x128xf32>
    %add3A_20 = vector.broadcast %get3A_19 : vector<1x128xf32> to vector<2000x128xf32>
    %add3A_21 = arith.addf %dot_general3A_16, %add3A_20 : vector<2000x128xf32>
    %max3A = arith.constant 0.000000e+00 : f32
    %max3A_22 = vector.broadcast %max3A : f32 to vector<2000x128xf32>
    %max3A_23 = arith.maximumf %add3A_21, %max3A_22 : vector<2000x128xf32>
    %get3A_24 = arith.constant 0 : index
    %get3A_25 = arith.constant 0 : index
    %get3A_26 = vector.load %arg6[%get3A_24, %get3A_25] : memref<128x128xf32, #tpu.memory_space<vmem>>, vector<128x128xf32>
    %dot_general3A_27 = arith.constant dense<0.000000e+00> : vector<2000x128xf32>
    %dot_general3A_28 = tpu.matmul %max3A_23, %get3A_26, %dot_general3A_27 {dimension_numbers = #tpu.dot_dimension_numbers<[1], [0], [0], [1], [0, 0, 1, 1], [], []>, transpose_lhs_hint = false} : vector<2000x128xf32>, vector<128x128xf32>, vector<2000x128xf32> -> vector<2000x128xf32>
    %get3A_29 = arith.constant 0 : index
    %get3A_30 = arith.constant 0 : index
    %get3A_31 = vector.load %arg7[%get3A_29, %get3A_30] : memref<1x128xf32, #tpu.memory_space<vmem>>, vector<1x128xf32>
    %add3A_32 = vector.broadcast %get3A_31 : vector<1x128xf32> to vector<2000x128xf32>
    %add3A_33 = arith.addf %dot_general3A_28, %add3A_32 : vector<2000x128xf32>
    %max3A_34 = arith.constant 0.000000e+00 : f32
    %max3A_35 = vector.broadcast %max3A_34 : f32 to vector<2000x128xf32>
    %max3A_36 = arith.maximumf %add3A_33, %max3A_35 : vector<2000x128xf32>
    %swap3A = arith.constant 0 : index
    %swap3A_37 = arith.constant 0 : index
    %swap3A_38 = vector.load %arg8[%swap3A, %swap3A_37] : memref<2000x128xf32, #tpu.memory_space<vmem>>, vector<2000x128xf32>
    tpu.vector_store %arg8[%swap3A, %swap3A_37], %max3A_36 {strides = array<i32>} : memref<2000x128xf32, #tpu.memory_space<vmem>>, vector<2000x128xf32>,
    return
  }
  func.func @transform_0(%arg0: i32) -> (i32, i32, i32) {
    %c0_i32 = arith.constant 0 : i32
    %c0_i32_0 = arith.constant 0 : i32
    %c0_i32_1 = arith.constant 0 : i32
    return %c0_i32, %arg0, %c0_i32_0 : i32, i32, i32
  }
  func.func @transform_1(%arg0: i32) -> (i32, i32, i32) {
    %c1_i32 = arith.constant 1 : i32
    %c0_i32 = arith.constant 0 : i32
    %c0_i32_0 = arith.constant 0 : i32
    return %c1_i32, %arg0, %c0_i32 : i32, i32, i32
  }
  func.func @transform_2(%arg0: i32) -> (i32, i32) {
    %c0_i32 = arith.constant 0 : i32
    %c0_i32_0 = arith.constant 0 : i32
    return %arg0, %c0_i32 : i32, i32
  }
  func.func @transform_3(%arg0: i32) -> (i32, i32) {
    %c0_i32 = arith.constant 0 : i32
    %c0_i32_0 = arith.constant 0 : i32
    %c0_i32_1 = arith.constant 0 : i32
    return %c0_i32, %c0_i32_0 : i32, i32
  }
  func.func @transform_4(%arg0: i32) -> (i32, i32) {
    %c0_i32 = arith.constant 0 : i32
    %c0_i32_0 = arith.constant 0 : i32
    %c0_i32_1 = arith.constant 0 : i32
    return %c0_i32, %c0_i32_0 : i32, i32
  }
  func.func @transform_5(%arg0: i32) -> (i32, i32) {
    %c0_i32 = arith.constant 0 : i32
    %c0_i32_0 = arith.constant 0 : i32
    %c0_i32_1 = arith.constant 0 : i32
    return %c0_i32, %c0_i32_0 : i32, i32
  }
  func.func @transform_6(%arg0: i32) -> (i32, i32) {
    %c0_i32 = arith.constant 0 : i32
    %c0_i32_0 = arith.constant 0 : i32
    %c0_i32_1 = arith.constant 0 : i32
    return %c0_i32, %c0_i32_0 : i32, i32
  }
  func.func @transform_7(%arg0: i32) -> (i32, i32) {
    %c0_i32 = arith.constant 0 : i32
    %c0_i32_0 = arith.constant 0 : i32
    return %arg0, %c0_i32 : i32, i32
  }
}

module attributes {stable_mosaic.version = 14 : i64} {
  func.func @body(%arg0: i32, %arg1: memref<1x2000x128xf32, #tpu.memory_space<vmem>>, %arg2: memref<1x2000x128xf32, #tpu.memory_space<vmem>>, %arg3: memref<2000x128xf32, #tpu.memory_space<vmem>>, %arg4: memref<128x128xf32, #tpu.memory_space<vmem>>, %arg5: memref<1x128xf32, #tpu.memory_space<vmem>>, %arg6: memref<128x128xf32, #tpu.memory_space<vmem>>, %arg7: memref<1x128xf32, #tpu.memory_space<vmem>>, %arg8: memref<128x128xf32, #tpu.memory_space<vmem>>, %arg9: memref<1x128xf32, #tpu.memory_space<vmem>>, %arg10: memref<128x128xf32, #tpu.memory_space<vmem>>, %arg11: memref<1x128xf32, #tpu.memory_space<vmem>>, %arg12: memref<128x1xf32, #tpu.memory_space<vmem>>, %arg13: memref<1x1xf32, #tpu.memory_space<vmem>>, %arg14: memref<2000x128xf32, #tpu.memory_space<vmem>>, %arg15: memref<2000x1xf32, #tpu.memory_space<vmem>>) attributes {dimension_semantics = [#tpu.dimension_semantics<arbitrary>], iteration_bounds = array<i64: 5>, scalar_prefetch = 0 : i64, scratch_operands = 0 : i64, tpu.core_type = #tpu.core_type<tc>, window_params = [{transform_indices = @transform_0, window_bounds = array<i64: 1, 2000, 128>}, {transform_indices = @transform_1, window_bounds = array<i64: 1, 2000, 128>}, {transform_indices = @transform_2, window_bounds = array<i64: 2000, 128>}, {pipeline_mode = #tpu.pipeline_mode<synchronous>, transform_indices = @transform_3, window_bounds = array<i64: 128, 128>}, {pipeline_mode = #tpu.pipeline_mode<synchronous>, transform_indices = @transform_4, window_bounds = array<i64: 1, 128>}, {pipeline_mode = #tpu.pipeline_mode<synchronous>, transform_indices = @transform_5, window_bounds = array<i64: 128, 128>}, {pipeline_mode = #tpu.pipeline_mode<synchronous>, transform_indices = @transform_6, window_bounds = array<i64: 1, 128>}, {pipeline_mode = #tpu.pipeline_mode<synchronous>, transform_indices = @transform_7, window_bounds = array<i64: 128, 128>}, {pipeline_mode = #tpu.pipeline_mode<synchronous>, transform_indices = @transform_8, window_bounds = array<i64: 1, 128>}, {pipeline_mode = #tpu.pipeline_mode<synchronous>, transform_indices = @transform_9, window_bounds = array<i64: 128, 128>}, {pipeline_mode = #tpu.pipeline_mode<synchronous>, transform_indices = @transform_10, window_bounds = array<i64: 1, 128>}, {pipeline_mode = #tpu.pipeline_mode<synchronous>, transform_indices = @transform_11, window_bounds = array<i64: 128, 1>}, {pipeline_mode = #tpu.pipeline_mode<synchronous>, transform_indices = @transform_12, window_bounds = array<i64: 1, 1>}, {transform_indices = @transform_13, window_bounds = array<i64: 2000, 128>}, {transform_indices = @transform_14, window_bounds = array<i64: 2000, 1>}]} {
    %get3A = arith.constant 0 : index
    %get3A_0 = arith.constant 0 : index
    %get3A_1 = arith.constant 0 : index
    %get3A_2 = vector.load %arg1[%get3A, %get3A_0, %get3A_1] : memref<1x2000x128xf32, #tpu.memory_space<vmem>>, vector<1x2000x128xf32>
    %get3A_3 = vector.shape_cast %get3A_2 : vector<1x2000x128xf32> to vector<2000x128xf32>
    %get3A_4 = arith.constant 0 : index
    %get3A_5 = arith.constant 0 : index
    %get3A_6 = arith.constant 0 : index
    %get3A_7 = vector.load %arg2[%get3A_4, %get3A_5, %get3A_6] : memref<1x2000x128xf32, #tpu.memory_space<vmem>>, vector<1x2000x128xf32>
    %get3A_8 = vector.shape_cast %get3A_7 : vector<1x2000x128xf32> to vector<2000x128xf32>
    %add3A = arith.addf %get3A_3, %get3A_8 : vector<2000x128xf32>
    %get3A_9 = arith.constant 0 : index
    %get3A_10 = arith.constant 0 : index
    %get3A_11 = vector.load %arg3[%get3A_9, %get3A_10] : memref<2000x128xf32, #tpu.memory_space<vmem>>, vector<2000x128xf32>
    %add3A_12 = arith.addf %add3A, %get3A_11 : vector<2000x128xf32>
    %get3A_13 = arith.constant 0 : index
    %get3A_14 = arith.constant 0 : index
    %get3A_15 = vector.load %arg4[%get3A_13, %get3A_14] : memref<128x128xf32, #tpu.memory_space<vmem>>, vector<128x128xf32>
    %dot_general3A = arith.constant dense<0.000000e+00> : vector<2000x128xf32>
    %dot_general3A_16 = tpu.matmul %add3A_12, %get3A_15, %dot_general3A {dimension_numbers = #tpu.dot_dimension_numbers<[1], [0], [0], [1], [0, 0, 1, 1], [], []>, transpose_lhs_hint = false} : vector<2000x128xf32>, vector<128x128xf32>, vector<2000x128xf32> -> vector<2000x128xf32>
    %get3A_17 = arith.constant 0 : index
    %get3A_18 = arith.constant 0 : index
    %get3A_19 = vector.load %arg5[%get3A_17, %get3A_18] : memref<1x128xf32, #tpu.memory_space<vmem>>, vector<1x128xf32>
    %add3A_20 = vector.broadcast %get3A_19 : vector<1x128xf32> to vector<2000x128xf32>
    %add3A_21 = arith.addf %dot_general3A_16, %add3A_20 : vector<2000x128xf32>
    %max3A = arith.constant 0.000000e+00 : f32
    %max3A_22 = vector.broadcast %max3A : f32 to vector<2000x128xf32>
    %max3A_23 = arith.maximumf %add3A_21, %max3A_22 : vector<2000x128xf32>
    %get3A_24 = arith.constant 0 : index
    %get3A_25 = arith.constant 0 : index
    %get3A_26 = vector.load %arg6[%get3A_24, %get3A_25] : memref<128x128xf32, #tpu.memory_space<vmem>>, vector<128x128xf32>
    %dot_general3A_27 = arith.constant dense<0.000000e+00> : vector<2000x128xf32>
    %dot_general3A_28 = tpu.matmul %max3A_23, %get3A_26, %dot_general3A_27 {dimension_numbers = #tpu.dot_dimension_numbers<[1], [0], [0], [1], [0, 0, 1, 1], [], []>, transpose_lhs_hint = false} : vector<2000x128xf32>, vector<128x128xf32>, vector<2000x128xf32> -> vector<2000x128xf32>
    %get3A_29 = arith.constant 0 : index
    %get3A_30 = arith.constant 0 : index
    %get3A_31 = vector.load %arg7[%get3A_29, %get3A_30] : memref<1x128xf32, #tpu.memory_space<vmem>>, vector<1x128xf32>
    %add3A_32 = vector.broadcast %get3A_31 : vector<1x128xf32> to vector<2000x128xf32>
    %add3A_33 = arith.addf %dot_general3A_28, %add3A_32 : vector<2000x128xf32>
    %max3A_34 = arith.constant 0.000000e+00 : f32
    %max3A_35 = vector.broadcast %max3A_34 : f32 to vector<2000x128xf32>
    %max3A_36 = arith.maximumf %add3A_33, %max3A_35 : vector<2000x128xf32>
    %swap3A = arith.constant 0 : index
    %swap3A_37 = arith.constant 0 : index
    %swap3A_38 = vector.load %arg14[%swap3A, %swap3A_37] : memref<2000x128xf32, #tpu.memory_space<vmem>>, vector<2000x128xf32>
    tpu.vector_store %arg14[%swap3A, %swap3A_37], %max3A_36 {strides = array<i32>} : memref<2000x128xf32, #tpu.memory_space<vmem>>, vector<2000x128xf32>,
    %get3A_39 = arith.constant 0 : index
    %get3A_40 = arith.constant 0 : index
    %get3A_41 = vector.load %arg8[%get3A_39, %get3A_40] : memref<128x128xf32, #tpu.memory_space<vmem>>, vector<128x128xf32>
    %dot_general3A_42 = arith.constant dense<0.000000e+00> : vector<2000x128xf32>
    %dot_general3A_43 = tpu.matmul %max3A_36, %get3A_41, %dot_general3A_42 {dimension_numbers = #tpu.dot_dimension_numbers<[1], [0], [0], [1], [0, 0, 1, 1], [], []>, transpose_lhs_hint = false} : vector<2000x128xf32>, vector<128x128xf32>, vector<2000x128xf32> -> vector<2000x128xf32>
    %get3A_44 = arith.constant 0 : index
    %get3A_45 = arith.constant 0 : index
    %get3A_46 = vector.load %arg9[%get3A_44, %get3A_45] : memref<1x128xf32, #tpu.memory_space<vmem>>, vector<1x128xf32>
    %add3A_47 = vector.broadcast %get3A_46 : vector<1x128xf32> to vector<2000x128xf32>
    %add3A_48 = arith.addf %dot_general3A_43, %add3A_47 : vector<2000x128xf32>
    %tanh3A = math.tanh %add3A_48 : vector<2000x128xf32>
    %get3A_49 = arith.constant 0 : index
    %get3A_50 = arith.constant 0 : index
    %get3A_51 = vector.load %arg10[%get3A_49, %get3A_50] : memref<128x128xf32, #tpu.memory_space<vmem>>, vector<128x128xf32>
    %dot_general3A_52 = arith.constant dense<0.000000e+00> : vector<2000x128xf32>
    %dot_general3A_53 = tpu.matmul %tanh3A, %get3A_51, %dot_general3A_52 {dimension_numbers = #tpu.dot_dimension_numbers<[1], [0], [0], [1], [0, 0, 1, 1], [], []>, transpose_lhs_hint = false} : vector<2000x128xf32>, vector<128x128xf32>, vector<2000x128xf32> -> vector<2000x128xf32>
    %get3A_54 = arith.constant 0 : index
    %get3A_55 = arith.constant 0 : index
    %get3A_56 = vector.load %arg11[%get3A_54, %get3A_55] : memref<1x128xf32, #tpu.memory_space<vmem>>, vector<1x128xf32>
    %add3A_57 = vector.broadcast %get3A_56 : vector<1x128xf32> to vector<2000x128xf32>
    %add3A_58 = arith.addf %dot_general3A_53, %add3A_57 : vector<2000x128xf32>
    %tanh3A_59 = math.tanh %add3A_58 : vector<2000x128xf32>
    %get3A_60 = arith.constant 0 : index
    %get3A_61 = arith.constant 0 : index
    %get3A_62 = vector.load %arg12[%get3A_60, %get3A_61] : memref<128x1xf32, #tpu.memory_space<vmem>>, vector<128x1xf32>
    %dot_general3A_63 = arith.constant dense<0.000000e+00> : vector<2000x1xf32>
    %dot_general3A_64 = tpu.matmul %tanh3A_59, %get3A_62, %dot_general3A_63 {dimension_numbers = #tpu.dot_dimension_numbers<[1], [0], [0], [1], [0, 0, 1, 1], [], []>, transpose_lhs_hint = false} : vector<2000x128xf32>, vector<128x1xf32>, vector<2000x1xf32> -> vector<2000x1xf32>
    %get3A_65 = arith.constant 0 : index
    %get3A_66 = arith.constant 0 : index
    %get3A_67 = vector.load %arg13[%get3A_65, %get3A_66] : memref<1x1xf32, #tpu.memory_space<vmem>>, vector<1x1xf32>
    %add3A_68 = vector.broadcast %get3A_67 : vector<1x1xf32> to vector<2000x1xf32>
    %add3A_69 = arith.addf %dot_general3A_64, %add3A_68 : vector<2000x1xf32>
    %swap3A_70 = arith.constant 0 : index
    %swap3A_71 = arith.constant 0 : index
    %swap3A_72 = vector.load %arg15[%swap3A_70, %swap3A_71] : memref<2000x1xf32, #tpu.memory_space<vmem>>, vector<2000x1xf32>
    tpu.vector_store %arg15[%swap3A_70, %swap3A_71], %add3A_69 {strides = array<i32>} : memref<2000x1xf32, #tpu.memory_space<vmem>>, vector<2000x1xf32>,
    return
  }
  func.func @transform_0(%arg0: i32) -> (i32, i32, i32) {
    %c0_i32 = arith.constant 0 : i32
    %c0_i32_0 = arith.constant 0 : i32
    %c0_i32_1 = arith.constant 0 : i32
    return %c0_i32, %arg0, %c0_i32_0 : i32, i32, i32
  }
  func.func @transform_1(%arg0: i32) -> (i32, i32, i32) {
    %c1_i32 = arith.constant 1 : i32
    %c0_i32 = arith.constant 0 : i32
    %c0_i32_0 = arith.constant 0 : i32
    return %c1_i32, %arg0, %c0_i32 : i32, i32, i32
  }
  func.func @transform_2(%arg0: i32) -> (i32, i32) {
    %c0_i32 = arith.constant 0 : i32
    %c0_i32_0 = arith.constant 0 : i32
    return %arg0, %c0_i32 : i32, i32
  }
  func.func @transform_3(%arg0: i32) -> (i32, i32) {
    %c0_i32 = arith.constant 0 : i32
    %c0_i32_0 = arith.constant 0 : i32
    %c0_i32_1 = arith.constant 0 : i32
    return %c0_i32, %c0_i32_0 : i32, i32
  }
  func.func @transform_4(%arg0: i32) -> (i32, i32) {
    %c0_i32 = arith.constant 0 : i32
    %c0_i32_0 = arith.constant 0 : i32
    %c0_i32_1 = arith.constant 0 : i32
    return %c0_i32, %c0_i32_0 : i32, i32
  }
  func.func @transform_5(%arg0: i32) -> (i32, i32) {
    %c0_i32 = arith.constant 0 : i32
    %c0_i32_0 = arith.constant 0 : i32
    %c0_i32_1 = arith.constant 0 : i32
    return %c0_i32, %c0_i32_0 : i32, i32
  }
  func.func @transform_6(%arg0: i32) -> (i32, i32) {
    %c0_i32 = arith.constant 0 : i32
    %c0_i32_0 = arith.constant 0 : i32
    %c0_i32_1 = arith.constant 0 : i32
    return %c0_i32, %c0_i32_0 : i32, i32
  }
  func.func @transform_7(%arg0: i32) -> (i32, i32) {
    %c0_i32 = arith.constant 0 : i32
    %c0_i32_0 = arith.constant 0 : i32
    %c0_i32_1 = arith.constant 0 : i32
    return %c0_i32, %c0_i32_0 : i32, i32
  }
  func.func @transform_8(%arg0: i32) -> (i32, i32) {
    %c0_i32 = arith.constant 0 : i32
    %c0_i32_0 = arith.constant 0 : i32
    %c0_i32_1 = arith.constant 0 : i32
    return %c0_i32, %c0_i32_0 : i32, i32
  }
  func.func @transform_9(%arg0: i32) -> (i32, i32) {
    %c0_i32 = arith.constant 0 : i32
    %c0_i32_0 = arith.constant 0 : i32
    %c0_i32_1 = arith.constant 0 : i32
    return %c0_i32, %c0_i32_0 : i32, i32
  }
  func.func @transform_10(%arg0: i32) -> (i32, i32) {
    %c0_i32 = arith.constant 0 : i32
    %c0_i32_0 = arith.constant 0 : i32
    %c0_i32_1 = arith.constant 0 : i32
    return %c0_i32, %c0_i32_0 : i32, i32
  }
  func.func @transform_11(%arg0: i32) -> (i32, i32) {
    %c0_i32 = arith.constant 0 : i32
    %c0_i32_0 = arith.constant 0 : i32
    %c0_i32_1 = arith.constant 0 : i32
    return %c0_i32, %c0_i32_0 : i32, i32
  }
  func.func @transform_12(%arg0: i32) -> (i32, i32) {
    %c0_i32 = arith.constant 0 : i32
    %c0_i32_0 = arith.constant 0 : i32
    %c0_i32_1 = arith.constant 0 : i32
    return %c0_i32, %c0_i32_0 : i32, i32
  }
  func.func @transform_13(%arg0: i32) -> (i32, i32) {
    %c0_i32 = arith.constant 0 : i32
    %c0_i32_0 = arith.constant 0 : i32
    return %arg0, %c0_i32 : i32, i32
  }
  func.func @transform_14(%arg0: i32) -> (i32, i32) {
    %c0_i32 = arith.constant 0 : i32
    %c0_i32_0 = arith.constant 0 : i32
    return %arg0, %c0_i32 : i32, i32
  }
}

module attributes {stable_mosaic.version = 14 : i64} {
  func.func @body(%arg0: memref<100x100xf32, #tpu.memory_space<vmem>>, %arg1: memref<100x100xf32, #tpu.memory_space<vmem>>, %arg2: memref<100x100xf32, #tpu.memory_space<vmem>>, %arg3: memref<100x1xi32, #tpu.memory_space<vmem>>) attributes {dimension_semantics = [], scalar_prefetch = 0 : i64, scratch_operands = 0 : i64, tpu.core_type = #tpu.core_type<tc>} {
    %get3A = arith.constant 0 : index
    %get3A_0 = arith.constant 0 : index
    %get3A_1 = vector.load %arg0[%get3A, %get3A_0] : memref<100x100xf32, #tpu.memory_space<vmem>>, vector<100x100xf32>
    %reduce_max3A = arith.constant dense<0xFF800000> : vector<100xf32>
    %reduce_max3A_2 = vector.multi_reduction <maximumf>, %get3A_1, %reduce_max3A [1] : vector<100x100xf32> to vector<100xf32>
    %broadcast_in_dim3A = vector.shape_cast %reduce_max3A_2 : vector<100xf32> to vector<100x1xf32>
    %sub3A = vector.broadcast %broadcast_in_dim3A : vector<100x1xf32> to vector<100x100xf32>
    %sub3A_3 = arith.subf %get3A_1, %sub3A : vector<100x100xf32>
    %exp3A = math.exp %sub3A_3 : vector<100x100xf32>
    %reduce_sum3A = arith.constant dense<0.000000e+00> : vector<100xf32>
    %reduce_sum3A_4 = vector.multi_reduction <add>, %exp3A, %reduce_sum3A [1] : vector<100x100xf32> to vector<100xf32>
    %broadcast_in_dim3A_5 = vector.shape_cast %reduce_sum3A_4 : vector<100xf32> to vector<100x1xf32>
    %log3A = math.log %broadcast_in_dim3A_5 : vector<100x1xf32>
    %add3A = arith.addf %log3A, %broadcast_in_dim3A : vector<100x1xf32>
    %sub3A_6 = vector.broadcast %add3A : vector<100x1xf32> to vector<100x100xf32>
    %sub3A_7 = arith.subf %get3A_1, %sub3A_6 : vector<100x100xf32>
    %swap3A = arith.constant 0 : index
    %swap3A_8 = arith.constant 0 : index
    %swap3A_9 = vector.load %arg2[%swap3A, %swap3A_8] : memref<100x100xf32, #tpu.memory_space<vmem>>, vector<100x100xf32>
    tpu.vector_store %arg2[%swap3A, %swap3A_8], %sub3A_7 {strides = array<i32>} : memref<100x100xf32, #tpu.memory_space<vmem>>, vector<100x100xf32>,
    %exp3A_10 = math.exp %sub3A_7 : vector<100x100xf32>
    %get3A_11 = arith.constant 0 : index
    %get3A_12 = arith.constant 0 : index
    %get3A_13 = vector.load %arg1[%get3A_11, %get3A_12] : memref<100x100xf32, #tpu.memory_space<vmem>>, vector<100x100xf32>
    %gt3A = arith.constant 0.000000e+00 : f32
    %gt3A_14 = vector.broadcast %gt3A : f32 to vector<100x100xf32>
    %gt3A_15 = arith.cmpf ogt, %get3A_13, %gt3A_14 : vector<100x100xf32>
    %jit3A = arith.constant 0xFF800000 : f32
    %broadcast_in_dim3A_16 = vector.broadcast %jit3A : f32 to vector<100x100xf32>
    %select_n3A = arith.select %gt3A_15, %exp3A_10, %broadcast_in_dim3A_16 : vector<100x100xi1>, vector<100x100xf32>
    %reduce_max3A_17 = arith.constant dense<0xFF800000> : vector<100xf32>
    %reduce_max3A_18 = vector.multi_reduction <maximumf>, %select_n3A, %reduce_max3A_17 [1] : vector<100x100xf32> to vector<100xf32>
    %broadcast_in_dim3A_19 = vector.shape_cast %reduce_max3A_18 : vector<100xf32> to vector<100x1xf32>
    %iota3A = tpu.iota {dimensions = array<i32: 1>} : vector<100x100xi32>
    %eq3A = vector.broadcast %broadcast_in_dim3A_19 : vector<100x1xf32> to vector<100x100xf32>
    %eq3A_20 = arith.cmpf oeq, %select_n3A, %eq3A : vector<100x100xf32>
    %jit3A_21 = arith.constant 100 : i32
    %broadcast_in_dim3A_22 = vector.broadcast %jit3A_21 : i32 to vector<100x100xi32>
    %select_n3A_23 = arith.select %eq3A_20, %iota3A, %broadcast_in_dim3A_22 : vector<100x100xi1>, vector<100x100xi32>
    %reduce_min3A = arith.constant dense<2147483647> : vector<100xi32>
    %reduce_min3A_24 = vector.multi_reduction <minsi>, %select_n3A_23, %reduce_min3A [1] : vector<100x100xi32> to vector<100xi32>
    %broadcast_in_dim3A_25 = vector.shape_cast %reduce_min3A_24 : vector<100xi32> to vector<100x1xi32>
    %swap3A_26 = arith.constant 0 : index
    %swap3A_27 = arith.constant 0 : index
    %swap3A_28 = vector.load %arg3[%swap3A_26, %swap3A_27] : memref<100x1xi32, #tpu.memory_space<vmem>>, vector<100x1xi32>
    tpu.vector_store %arg3[%swap3A_26, %swap3A_27], %broadcast_in_dim3A_25 {strides = array<i32>} : memref<100x1xi32, #tpu.memory_space<vmem>>, vector<100x1xi32>,
    return
  }
}

</mosaic_0001>

<sc_bundles>
// kernel: kernel.10.cloned.1.call-start
scs
__scs_entry_jumppad:
0x0: {  	(pc) =	sbr.rel $0x88, $3  }
0x1: {  	(tag) =	ssettag $0x0;
	lr =	simm.s32 $0x1  }
0x2: {  	[smem:$0x3F90] =	sst lr;
	_ =	strace $0xD0000000  }
0x3: {  	_ = 	snop  }
0x4: {  	_ = 	snop  }
0x5: {  	_ = 	snop  }
0x6: {  	_ = 	snop  }
0x7: {  	_ = 	snop  }
__scs_overlays_trampoline_lowered:
0x8: {  	[smem:$0x3F9F] =	sst s0  }
0x9: {  	[smem:$0x3FA0] =	sst s1  }
0xa: {  	[smem:$0x3FA1] =	sst s2  }
0xb: {  	[smem:$0x3FA2] =	sst s3  }
0xc: {  	[smem:$0x3FA3] =	sst s4  }
0xd: {  	[smem:$0x3FA4] =	sst s5  }
0xe: {  	[smem:$0x3FA5] =	sst s6  }
0xf: {  	[smem:$0x3FA6] =	sst s7  }
0x10: {  	[smem:$0x3FA7] =	sst s8  }
0x11: {  	[smem:$0x3FA8] =	sst s9;
	s0 =	simm.s32 @!p0 $0x0  }
0x12: {  	s1 =	sld [smem:$0x3F8E];
	s0 =	simm.s32 @p0 $0x1  }
0x13: {  	[smem:$0x3FA9] =	sst s0;
	s0 =	simm.s32 @!p1 $0x0  }
0x14: {  	s2 =	sld [smem:$0x3F8D];
	s0 =	simm.s32 @p1 $0x1  }
0x15: {  	[smem:$0x3FAA] =	sst s0;
	s0 =	simm.s32 @!p2 $0x0  }
0x16: {  	s3 =	sld [smem:$0x3FDB];
	s0 =	simm.s32 @p2 $0x1  }
0x17: {  	s4 =	simm.s32 $0x1BF5;
	[smem:$0x3FAC] =	sst s0  }
0x18: {  	s0 =	sld [smem:$0x3F8F];
	_ =	swait.ge [sflag:s4], $0x0  }
0x19: {  	s7 =	sld [smem:$0x3F90]  }
0x1a: {  	s8 =	sadd.s32 $0xFFFFE003, lr  }
0x1b: {  	s9 =	sadd.s32 $0xFFFFFEF7, lr;
	s5 =	simm.s32 $0xFFFFFFFF;
	p2 =	slt.u32 s8, $0xFFFFF086  }
0x1c: {  	p1 =	slt.u32 s9, $0xF7A;
	s5 =	simm.s32 @!p2 $0x0  }
0x1d: {  	s5 =	simm.s32 @p1 $0x1;
	p0 =	seq.s32 s7, s2  }
0x1e: {  	s7 =	smul.u32 @!p0 $0xF7A, s2;
	p2 =	seq.s32 @!p0 s5, $0x0  }
0x1f: {  	s9 =	smul.u32 $0xF7A, s1;
	s8 =	simm.s32 @!p0 $0x1BF5;
	p2 =	por !p2, p0  }
0x20: {  	[sflag:s8] =	ssyncset.s32 @!p0 $0xFFFFF086;
	s6 =	sadd.s32 @!p0 s3, s7;
	s7 =	simm.s32 @!p0 $0x108  }
0x21: {  	s3 =	sadd.s32 s3, s9;
	s6 =	sadd.s32 @!p0 $0x88, s6;
	s7 =	simm.s32 @p2 $0x1082  }
0x22: {  	[simem:s7], [sflag:s8] =	dma.local @!p0 [hbm:s6], $0xF7A  }
0x23: {  	s9 =	sor.u32 $0xD0000000, s2;
	s6 =	simm.s32 $0x108;
	_ =	swait.ge @!p0 [sflag:s8], $0x0  }
0x24: {  	s3 =	sadd.s32 $0x88, s3;
	s6 =	simm.s32 @!p1 $0x1082;
	[sflag:s4] =	ssyncset.s32 $0xFFFFF086  }
0x25: {  	[simem:s6], [sflag:s4] =	dma.local [hbm:s3], $0xF7A  }
0x26: {  	[smem:$0x3F90] =	sst s1;
	(tag) =	ssettag s2;
	_ =	strace s9  }
0x27: {  	s1 =	sld [smem:$0x3FA0]  }
0x28: {  	s2 =	sld [smem:$0x3FA1]  }
0x29: {  	s4 =	sld [smem:$0x3FA3]  }
0x2a: {  	p0 =	seq.s32 s5, $0x0;
	s5 =	sld [smem:$0x3FA4]  }
0x2b: {  	s6 =	sld [smem:$0x3FA5]  }
0x2c: {  	s7 =	sld [smem:$0x3FA6]  }
0x2d: {  	s3 =	simm.s32 $0x108;
	s8 =	sld [smem:$0x3FA7]  }
0x2e: {  	s3 =	simm.s32 @!p0 $0x1082;
	s9 =	sld [smem:$0x3FA8]  }
0x2f: {  	lr =	sadd.s32 s0, s3;
	s0 =	sld [smem:$0x3F9F]  }
0x30: {  	s3 =	sld [smem:$0x3FA2]  }
0x31: {  	[smem:$0x3FAB] =	sst s10  }
0x32: {  	s10 =	sld [smem:$0x3FA9];
	_ =	sdelay $0x3  }
0x33: {  	p0 =	seq.s32 s10, $0x1;
	s10 =	sld [smem:$0x3FAB];
	_ =	sdelay $0x3  }
0x34: {  	[smem:$0x3FAB] =	sst s10  }
0x35: {  	s10 =	sld [smem:$0x3FAA];
	_ =	sdelay $0x3  }
0x36: {  	p1 =	seq.s32 s10, $0x1;
	s10 =	sld [smem:$0x3FAB];
	_ =	sdelay $0x3  }
0x37: {  	[smem:$0x3FAB] =	sst s10  }
0x38: {  	s10 =	sld [smem:$0x3FAC]  }
0x39: {  	_ = 	snop;
	(pc) =	sbr.ind lr, $3  }
0x3a: {  	_ = 	snop  }
0x3b: {  	_ = 	snop  }
0x3c: {  	p2 =	seq.s32 s10, $0x1;
	s10 =	sld [smem:$0x3FAB]  }
0x3d: {  	_ =	shalt  }
0x3e: {  	_ =	shalt  }
0x3f: {  	_ =	shalt  }
0x40: {  	_ =	shalt  }
0x41: {  	_ =	shalt  }
0x42: {  	_ =	shalt  }
0x43: {  	_ =	shalt  }
0x44: {  	_ =	shalt  }
0x45: {  	_ =	shalt  }
0x46: {  	_ =	shalt  }
0x47: {  	_ =	shalt  }
0x48: {  	_ =	shalt  }
0x49: {  	_ =	shalt  }
0x4a: {  	_ =	shalt  }
0x4b: {  	_ =	shalt  }
0x4c: {  	_ =	shalt  }
0x4d: {  	_ =	shalt  }
0x4e: {  	_ =	shalt  }
0x4f: {  	_ =	shalt  }
0x50: {  	_ =	shalt  }
0x51: {  	_ =	shalt  }
0x52: {  	_ =	shalt  }
0x53: {  	_ =	shalt  }
0x54: {  	_ =	shalt  }
0x55: {  	_ =	shalt  }
0x56: {  	_ =	shalt  }
0x57: {  	_ =	shalt  }
0x58: {  	_ =	shalt  }
0x59: {  	_ =	shalt  }
0x5a: {  	_ =	shalt  }
0x5b: {  	_ =	shalt  }
0x5c: {  	_ =	shalt  }
0x5d: {  	_ =	shalt  }
0x5e: {  	_ =	shalt  }
0x5f: {  	_ =	shalt  }
0x60: {  	_ =	shalt  }
0x61: {  	_ =	shalt  }
0x62: {  	_ =	shalt  }
0x63: {  	_ =	shalt  }
0x64: {  	_ =	shalt  }
0x65: {  	_ =	shalt  }
0x66: {  	_ =	shalt  }
0x67: {  	_ =	shalt  }
0x68: {  	_ =	shalt  }
0x69: {  	_ =	shalt  }
0x6a: {  	_ =	shalt  }
0x6b: {  	_ =	shalt  }
0x6c: {  	_ =	shalt  }
0x6d: {  	_ =	shalt  }
0x6e: {  	_ =	shalt  }
0x6f: {  	_ =	shalt  }
0x70: {  	_ =	shalt  }
0x71: {  	_ =	shalt  }
0x72: {  	_ =	shalt  }
0x73: {  	_ =	shalt  }
0x74: {  	_ =	shalt  }
0x75: {  	_ =	shalt  }
0x76: {  	_ =	shalt  }
0x77: {  	_ =	shalt  }
0x78: {  	_ =	shalt  }
0x79: {  	_ =	shalt  }
0x7a: {  	_ =	shalt  }
0x7b: {  	_ =	shalt  }
0x7c: {  	_ =	shalt  }
0x7d: {  	_ =	shalt  }
0x7e: {  	_ =	shalt  }
0x7f: {  	_ =	shalt  }
0x80: {  	_ =	shalt  }
0x81: {  	_ =	shalt  }
0x82: {  	_ =	shalt  }
0x83: {  	_ =	shalt  }
0x84: {  	_ =	shalt  }
0x85: {  	_ =	shalt  }
0x86: {  	_ =	shalt  }
0x87: {  	_ =	shalt  }
.Lfunc_end0:
.L_simem_size_0:
called_computation.1_lowered:
.L_overlay_start_0:
0x88: {  	s2 =	sld [smem:$0x3FD9]  }
0x89: {  	s3 =	sld [smem:$0x3FFE];
	_ =	sdelay $0x1  }
0x8a: {  	s1 =	srdreg.scid  }
0x8b: {  	s0 =	sand.u32 $0x1, s1  }
0x8c: {  	s14 =	sshll.u32 s0, $0xA;
	s2 =	sadd.s32 s3, s2  }
0x8d: {  	s2 =	sadd.s32 s2, s14  }
0x8e: {  	[smem:$0x3FB7] =	sst s2  }
0x8f: {  	_ = 	snop  }
0x90: {  	s2 =	sld [smem:$0x3FD0];
	_ =	sdelay $0x2  }
0x91: {  	s15 =	simm.s32 $0xA;
	s4 =	simm.s32 $0x10  }
0x92: {  	[smem:s4], [sflag:s15] =	dma.local [hbm:s2], $0x1  }
0x93: {  	_ =	swait.eq [sflag:s15], $0x1  }
0x94: {  	[sflag:s15] =	ssyncset.done $0x0  }
0x95: {  	[sflag:s15] =	ssyncadd.s32 $0xFFFFFFFF  }
0x96: {  	s16 =	sld [smem:$0x12];
	(tm) =	ssettm $0x1  }
0x97: {  	s17 =	sld [smem:$0x3FFB];
	_ =	sdelay $0x3  }
0x98: {  	_ =	strace s17  }
0x99: {  	s3 =	sld [smem:$0x3FFC];
	_ =	sdelay $0x3  }
0x9a: {  	_ =	strace s3  }
0x9b: {  	s3 =	sld [smem:$0x3FFD];
	_ =	sdelay $0x3  }
0x9c: {  	_ =	strace s3  }
0x9d: {  	_ =	strace $0x8FFFFFFF  }
0x9e: {  	s18 =	sld [smem:$0x3FDB];
	_ =	sdelay $0x1  }
0x9f: {  	s19 =	simm.s32 $_scs_section_size  }
0xa0: {  	s5 =	simm.s32 $_size__tile_overlayer_lowered;
	s6 =	simm.s32 $_tile_overlayer_lowered  }
0xa1: {  	s22 =	simm.s32 $0x1BFF;
	s21 =	sshll.u32 s6, $0x1;
	s3 =	sadd.s32 s19, s18  }
0xa2: {  	s7 =	simm.s32 $0x0;
	s20 =	sshll.u32 s5, $0x1;
	s5 =	sadd.s32 s21, s3  }
0xa3: {  	[timem:s7], [sflag:s22] =	dma.local [hbm:s5], s20  }
0xa4: {  	_ =	swait.ge [sflag:s22], s20  }
0xa5: {  	s4 =	ssub.s32 $0x0, s20;
	[sflag:s22] =	ssyncset.done $0x0  }
0xa6: {  	[sflag:s22] =	ssyncadd.s32 s4;
	_ =	sdelay $0x1  }
0xa7: {  	s23 =	simm.s32 $0x1B8B  }
0xa8: {  	_ =	swait.ge [sflag:s23], $0x1  }
0xa9: {  	[sflag:s23] =	ssyncset.done $0x0  }
0xaa: {  	s25 =	simm.s32 $0x1B8E;
	s24 =	sld [smem:$0x3FFE];
	[sflag:s23] =	ssyncadd.s32 $0xFFFFFFFF  }
0xab: {  	s26 =	simm.s32 $execute0_lowered;
	[smem:$0x3FD2] =	sst s25  }
0xac: {  	s5 =	sshll.u32 s26, $0x1;
	_ =	strace $0x80000049;
	[dreg:$0x1] =	wrdreg $0xFFFFFFFF  }
0xad: {  	s28 =	simm.s32 $_size_execute0_lowered;
	s3 =	sadd.s32 s3, s5;
	[dreg:$0x0] =	wrdreg $0x0  }
0xae: {  	s5 =	sshll.u32 s28, $0x1;
	[dreg:$0x2] =	wrdreg s3  }
0xaf: {  	[dreg:$0x3] =	wrdreg s5  }
0xb0: {  	[dreg:$0x4] =	wrdreg $0xC0  }
0xb1: {  	_ =	task [dreg:s7], $0x5FFFF  }
0xb2: {  	[dreg:$0x1] =	wrdreg $0xFFFFFFFF  }
0xb3: {  	[dreg:$0x0] =	wrdreg $0x60  }
0xb4: {  	[dreg:$0x2] =	wrdreg s24  }
0xb5: {  	[dreg:$0x3] =	wrdreg s16  }
0xb6: {  	[dreg:$0x4] =	wrdreg $0x8E000  }
0xb7: {  	[dreg:$0x5] =	wrdreg $0x9  }
0xb8: {  	_ =	task.clear_ibuf [dreg:s7], $0x6FFFF;
	_ =	strace $0x90000049  }
0xb9: {  	s29 =	simm.s32 $0x9;
	_ =	strace $0x8000004B  }
0xba: {  	_ =	swait.ge [sflag:s29], $0x1  }
0xbb: {  	[sflag:s29] =	ssyncadd.s32 $0xFFFFFFFF  }
0xbc: {  	_ =	strace $0x9000004B  }
0xbd: {  	_ =	sfence  }
0xbe: {  	s30 =	sld [smem:$0x0];
	_ =	sdelay $0x2  }
0xbf: {  	s31 =	sshll.u32 s1, $0xD;
	s1 =	sshrl.u32 s1, $0x2  }
0xc0: {  	s3 =	sand.u32 $0x4000, s31;
	s1 =	sadd.s32 s1, s30  }
0xc1: {  	s0 =	sor.u32 s3, s0;
	s1 =	sshll.u32 s1, $0x11  }
0xc2: {  	s0 =	sor.u32 s1, s0  }
0xc3: {  	s0 =	sadd.s32 $0x8F2B, s0  }
0xc4: {  	[sflag:s0] =	ssyncadd.remote.s32 $0x1  }
0xc5: {  	_ =	sfence.sel $0xFFFF  }
0xc6: {  	[dreg:$0x0] =	wrdreg $0xFFFFFFFF;
	(pc) =	sbr.abs _section_cstart, $3  }
0xc7: {  	[dreg:$0x1] =	wrdreg $0xFFFFFFFF  }
0xc8: {  	_ =	task.clear_ibuf [dreg:s7], $0x2FFFF;
	_ =	strace $0x9FFFFFFF  }
0xc9: {  	(tm) =	ssettm $0x7FFFFFFF  }
tec
execute0_lowered:
.L_overlay_start_1:
0x0: {  	(tag) =	ssettag $0x1  }
0x1: {  	s0 =	srdreg.scid  }
0x2: {  	s12 =	stileid.u32;
	s1 =	rddreg [dreg:$0x0]  }
0x3: {  	s6 =	rddreg [dreg:$0x1];
	s29 =	simm.s32 $0x28;
	s30 =	simm.s32 $0x2A00  }
0x4: {  	s31 =	simm.s32 $0x7;
	s0 =	sand.u32 $0x1, s0;
	s11 =	smul.u32 $0x4F000, s12  }
0x5: {  	s2 =	sshll.u32 s12, $0x1;
	s3 =	sshrl.u32 s12, $0x2;
	s19 =	smul.u32 $0x2780, s12  }
0x6: {  	s23 =	smul.u32 $0x13C00, s12;
	p0 =	seq.s32 s12, $0xF;
	s7 =	sor.u32 s0, s2  }
0x7: {  	s2 =	rddreg [dreg:$0x2];
	s4 =	smul.u32 $0x13C00, s3;
	s3 =	simm.s32 $0x0  }
0x8: {  	s9 =	ssub.s32 $0x2, s0;
	s0 =	smul.u32 $0x138800, s0;
	s5 =	sshll.u32 s7, $0x7  }
0x9: {  	[smem:$0x7FF] =	sst s3;
	s10 =	sshrl.u32 s9, $0x1;
	s18 =	sshll.u32 s7, $0xC  }
0xa: {  	s22 =	sshrl.u32 s11, $0x2;
	s24 =	sadd.s32 s6, s19;
	s26 =	sadd.s32 $0x128400, s2  }
0xb: {  	s6 =	sadd.s32 $0x25080, s6;
	_ =	strace $0x8000004A;
	[dreg:$0xb] =	wrdreg s24  }
0xc: {  	s5 =	sand.u32 $0x380, s5;
	s9 =	ssub.s32 s9, s10;
	[dreg:$0xc] =	wrdreg s26  }
0xd: {  	s25 =	sadd.s32 s23, s0;
	s0 =	sshrl.u32 s0, $0x3;
	[dreg:$0xd] =	wrdreg s6  }
0xe: {  	s24 =	simm.s32 $0x2880;
	s26 =	simm.s32 $0x2980;
	s4 =	sor.u32 s4, s5  }
0xf: {  	s23 =	simm.s32 $0x4;
	s6 =	simm.s32 $0xB;
	s5 =	sshrl.u32 s4, $0x3  }
0x10: {  	s10 =	simm.s32 $0x0;
	s28 =	smax.u32 s9, $0x1;
	s8 =	sadd.s32 s5, s1  }
0x11: {  	[dreg:$0x10] =	wrdreg s28;
	s5 =	sadd.s32 $0x2400, s1;
	s8 =	sadd.s32 $0x22400, s8  }
0x12: {  	s9 =	simm.s32 $0x6;
	s13 =	sadd.s32 s5, s18;
	[dreg:$0x4] =	wrdreg s8  }
0x13: {  	s4 =	sadd.s32 $0x2C200, s1;
	s20 =	sadd.s32 $0x10, s13;
	[dreg:$0x5] =	wrdreg s13  }
0x14: {  	s1 =	sadd.s32 $0x53400, s1;
	s21 =	sadd.s32 $0x20, s13;
	[dreg:$0x6] =	wrdreg s20  }
0x15: {  	s0 =	sadd.s32 s1, s0;
	s14 =	sadd.s32 $0x30, s13;
	[dreg:$0x7] =	wrdreg s21  }
0x16: {  	s8 =	sshll.u32 s7, $0xF;
	s13 =	sadd.s32 $0x40, s13;
	[dreg:$0x8] =	wrdreg s14  }
.Ltmp0:
0x17: {  	s7 =	sadd.s32 s22, s2;
	[dreg:$0x9] =	wrdreg s13;
	(pc) =	sbr.rel .LBB2_1-.Ltmp0, $4  }
0x18: {  	s0 =	sadd.s32 $0x25080, s0;
	s22 =	simm.s32 $0x2780;
	[dreg:$0xa] =	wrdreg s7  }
0x19: {  	s7 =	sshrl.u32 s25, $0x3;
	[dreg:$0xf] =	wrdreg s0;
	s20 =	simm.s32 $0x5200  }
0x1a: {  	s25 =	simm.s32 $0x7A00;
	s0 =	simm.s32 $0xC;
	s1 =	sadd.s32 s1, s7  }
0x1b: {  	s21 =	simm.s32 $0x9;
	[dreg:$0xe] =	wrdreg s1;
	s1 =	simm.s32 $0x2  }
.LBB2_4:
0x1c: {  	[bflag:$0x0] =	sbarrier.arrive $0xFFFF  }
0x1d: {  	s11 =	rddreg [dreg:$0xf]  }
0x1e: {  	s7 =	simm.s32 @p0 $0x1FCC;
	s12 =	rddreg [dreg:$0x11]  }
0x1f: {  	[hbm:s11], [sflag:s7] =	dma.local @p0 [spmem:s12], $0x2080  }
0x20: {  	s7 =	simm.s32 @p0 $0xC  }
0x21: {  	_ =	swait.ge @p0 [sflag:s7], $0x2080  }
0x22: {  	s11 =	rddreg [dreg:$0x12]  }
0x23: {  	[sflag:s7] =	ssyncset.done @p0 $0x0;
	s12 =	rddreg [dreg:$0x13]  }
0x24: {  	[sflag:s7] =	ssyncadd.s32 @p0 $0xFFFFDF80;
	s7 =	rddreg [dreg:$0xe]  }
0x25: {  	[hbm:s7], [sflag:s11] =	dma.local @!p0 [spmem:s12], $0x2780  }
0x26: {  	s7 =	simm.s32 @!p0 $0xC  }
0x27: {  	_ =	swait.ge @!p0 [sflag:s7], $0x2780  }
0x28: {  	s10 =	sadd.s32 $0x1, s10;
	s28 =	rddreg [dreg:$0x10]  }
0x29: {  	p1 =	sne.s32 s10, s28  }
.Ltmp1:
0x2a: {  	_ = 	snop;
	(pc) =	sbr.rel @!p1 .LBB2_5-.Ltmp1, $3  }
0x2b: {  	_ =	sdelay $0x1  }
0x2c: {  	[sflag:s7] =	ssyncset.done @!p0 $0x0  }
0x2d: {  	[sflag:s7] =	ssyncadd.s32 @!p0 $0xFFFFD880  }
.LBB2_1:
0x2e: {  	s7 =	rddreg [dreg:$0x4]  }
0x2f: {  	s18 =	rddreg [dreg:$0x5]  }
0x30: {  	s11 =	simm.s32 $0x80;
	s12 =	simm.s32 $0x400;
	s19 =	rddreg [dreg:$0x6]  }
0x31: {  	[tilespmem:s3], [sflag:$0x1] =	stream.strided.gather [hbm4b:s7+s11], $0x2780, s12, s11, $0x38;
	[tilespmem:$0x1C680] =	vst v63  }
0x32: {  	s14 =	rddreg [dreg:$0x9]  }
0x33: {  	[tilespmem:s22], [sflag:$0x2] =	stream.linear.gather [hbm4b:s18+s3], $0x80, $0x38;
	[tilespmem:$0x1C680] =	vst v63  }
0x34: {  	s28 =	simm.s32 $0x2800;
	s11 =	rddreg [dreg:$0x7]  }
0x35: {  	[tilespmem:s28], [sflag:$0x3] =	stream.linear.gather [hbm4b:s19+s3], $0x80, $0x38;
	[tilespmem:$0x1C680] =	vst v63  }
0x36: {  	s12 =	rddreg [dreg:$0x8]  }
0x37: {  	[tilespmem:s24], [sflag:$0x4] =	stream.linear.gather [hbm4b:s11+s3], $0x80, $0x38;
	[tilespmem:$0x1C680] =	vst v63  }
0x38: {  	s13 =	simm.s32 $0x2900;
	s7 =	rddreg [dreg:$0xc]  }
0x39: {  	[tilespmem:s13], [sflag:$0x5] =	stream.linear.gather [hbm4b:s12+s3], $0x80, $0x38;
	[tilespmem:$0x1C680] =	vst v63  }
0x3a: {  	s11 =	rddreg [dreg:$0xd];
	s12 =	sshrl.u32 @p0 s7, $0x3  }
0x3b: {  	s7 =	simm.s32 @p0 $0x1FCC;
	[dreg:$0x11] =	wrdreg s12  }
0x3c: {  	[tilespmem:s26], [sflag:$0x6] =	stream.linear.gather [hbm4b:s14+s3], $0x80, $0x38;
	[tilespmem:$0x1C680] =	vst v63  }
0x3d: {  	[spmem:s12], [sflag:s7] =	dma.local @p0 [hbm:s11], $0x2080  }
0x3e: {  	s7 =	simm.s32 @p0 $0xC  }
0x3f: {  	s11 =	stileid.u32;
	_ =	swait.ge @p0 [sflag:s7], $0x2080  }
0x40: {  	s12 =	sshll.u32 @!p0 s11, $0x6;
	[sflag:s7] =	ssyncset.done @p0 $0x0  }
0x41: {  	s11 =	sor.u32 @!p0 $0x1C0C, s12;
	[sflag:s7] =	ssyncadd.s32 @p0 $0xFFFFDF80;
	s7 =	rddreg [dreg:$0xa]  }
0x42: {  	[dreg:$0x12] =	wrdreg s11  }
0x43: {  	s12 =	sshrl.u32 @!p0 s7, $0x3;
	s7 =	rddreg [dreg:$0xb]  }
0x44: {  	[dreg:$0x13] =	wrdreg s12  }
0x45: {  	[spmem:s12], [sflag:s11] =	dma.local @!p0 [hbm:s7], $0x2780  }
0x46: {  	s7 =	simm.s32 @!p0 $0xC  }
0x47: {  	_ =	swait.ge @!p0 [sflag:s7], $0x2780  }
0x48: {  	[sflag:s7] =	ssyncset.done @!p0 $0x0  }
0x49: {  	s15 =	simm.s32 $0x1;
	[sflag:s7] =	ssyncadd.s32 @!p0 $0xFFFFD880  }
0x4a: {  	_ =	swait.ge [sflag:s15], $0x2780  }
0x4b: {  	[sflag:s15] =	ssyncset.done $0x0  }
0x4c: {  	[sflag:s15] =	ssyncadd.s32 $0xFFFFD880  }
0x4d: {  	[bflag:$0x0] =	sbarrier.arrive $0xFFFF  }
0x4e: {  	[tilespmem:s30], [sflag:$0x7] =	stream.indirect.gather [hbm4b:s4+s29], $0x80, s3, s29, $0xb8;
	[tilespmem:$0x1C680] =	vst v63  }
0x4f: {  	s16 =	simm.s32 $0x3E00  }
0x50: {  	[tilespmem:s16], [sflag:$0x8] =	stream.indirect.gather [hbm4b:s4+s29], $0x80, s29, s29, $0xb8;
	[tilespmem:$0x1C680] =	vst v63  }
0x51: {  	s17 =	simm.s32 $0x50  }
0x52: {  	[tilespmem:s20], [sflag:$0x9] =	stream.indirect.gather [hbm4b:s4+s29], $0x80, s17, s29, $0xb8;
	[tilespmem:$0x1C680] =	vst v63  }
0x53: {  	s18 =	simm.s32 $0x78;
	s19 =	simm.s32 $0x6600  }
0x54: {  	[tilespmem:s19], [sflag:$0xA] =	stream.indirect.gather [hbm4b:s4+s29], $0x80, s18, s29, $0xb8;
	[tilespmem:$0x1C680] =	vst v63  }
0x55: {  	s28 =	simm.s32 $0xA0;
	s14 =	simm.s32 $0x168;
	s15 =	simm.s32 $0x0  }
0x56: {  	[tilespmem:s25], [sflag:$0xB] =	stream.indirect.gather [hbm4b:s4+s29], $0x80, s28, s29, $0xb8;
	[tilespmem:$0x1C680] =	vst v63  }
.LBB2_2:
0x57: {  	_ =	swait.ge [sflag:s31], $0x1400  }
0x58: {  	[sflag:s31] =	ssyncset.done $0x0  }
0x59: {  	[sflag:s31] =	ssyncadd.s32 $0xFFFFEC00  }
0x5a: {  	_ =	swait.ge [sflag:s1], $0x80  }
0x5b: {  	[sflag:s1] =	ssyncset.done $0x0  }
0x5c: {  	[sflag:s1] =	ssyncadd.s32 $0xFFFFFF80  }
0x5d: {  	[spmem:s2] =	stream.indirect.scatter.add.f32 [tilespmem:s30], [sflag:$0xC], $0x80, s22, s29, $0xb8;
	[tilespmem:$0x1C680] =	vst v63  }
0x5e: {  	_ =	swait.ge [sflag:s0], $0x1400  }
0x5f: {  	p1 =	seq.s32 s15, $0x7A80;
	[sflag:s0] =	ssyncset.done $0x0  }
0x60: {  	s7 =	simm.s32 @p1 $0x8;
	[sflag:s0] =	ssyncadd.s32 $0xFFFFEC00  }
0x61: {  	_ =	swait.ge @p1 [sflag:s7], $0x1400  }
0x62: {  	[sflag:s7] =	ssyncset.done @p1 $0x0  }
0x63: {  	[sflag:s7] =	ssyncadd.s32 @p1 $0xFFFFEC00;
	s7 =	simm.s32 @p1 $0x3  }
0x64: {  	_ =	swait.ge @p1 [sflag:s7], $0x80  }
0x65: {  	s16 =	simm.s32 @p1 $0x2800;
	[sflag:s7] =	ssyncset.done @p1 $0x0  }
0x66: {  	s17 =	simm.s32 @p1 $0x3E00;
	[sflag:s7] =	ssyncadd.s32 @p1 $0xFFFFFF80;
	s7 =	simm.s32 @p1 $0x28  }
0x67: {  	[spmem:s2] =	stream.indirect.scatter.add.f32 @p1 [tilespmem:s17], [sflag:$0xC], $0x80, s16, s7, $0xb8;
	[tilespmem:$0x1C680] =	vst v63  }
0x68: {  	s16 =	sadd.s32 @!p1 $0x280, s15  }
0x69: {  	s17 =	sand.u32 @!p1 $0x1FC00, s16  }
0x6a: {  	s18 =	simm.s32 @p1 $0xC;
	s16 =	sand.u32 @!p1 $0x380, s16;
	s17 =	sadd.s32 @!p1 s8, s17  }
0x6b: {  	_ =	swait.ge @p1 [sflag:s18], $0x1400;
	s16 =	sor.u32 @!p1 s16, s17  }
0x6c: {  	s19 =	simm.s32 @!p1 $0x2780;
	[sflag:s18] =	ssyncset.done @p1 $0x0;
	s16 =	sshrl.u32 @!p1 s16, $0x3  }
0x6d: {  	[sflag:s18] =	ssyncadd.s32 @p1 $0xFFFFEC00;
	s17 =	sadd.s32 @!p1 s5, s16;
	s16 =	simm.s32 @!p1 $0x0  }
0x6e: {  	[tilespmem:s19], [sflag:$0x2] =	stream.linear.gather @!p1 [hbm4b:s17+s16], $0x80, $0x38;
	[tilespmem:$0x1C680] =	vst v63  }
0x6f: {  	s28 =	simm.s32 @!p1 $0x2A00;
	s19 =	sadd.s32 @!p1 $0xFFFFFF60, s14;
	s17 =	simm.s32 @!p1 $0x28  }
0x70: {  	[tilespmem:s28], [sflag:$0x7] =	stream.indirect.gather @!p1 [hbm4b:s4+s17], $0x80, s19, s17, $0xb8;
	[tilespmem:$0x1C680] =	vst v63  }
0x71: {  	s19 =	simm.s32 @!p1 $0x8  }
0x72: {  	_ =	swait.ge @!p1 [sflag:s19], $0x1400  }
0x73: {  	[sflag:s19] =	ssyncset.done @!p1 $0x0  }
0x74: {  	s12 =	sadd.s32 @!p1 $0x300, s15;
	[sflag:s19] =	ssyncadd.s32 @!p1 $0xFFFFEC00;
	s19 =	simm.s32 @!p1 $0x3  }
0x75: {  	s11 =	simm.s32 @!p1 $0x3E00;
	s13 =	sand.u32 @!p1 $0x1FC00, s12;
	_ =	swait.ge @!p1 [sflag:s19], $0x80  }
0x76: {  	s12 =	sand.u32 @!p1 $0x380, s12;
	s13 =	sadd.s32 @!p1 s8, s13;
	[sflag:s19] =	ssyncset.done @!p1 $0x0  }
0x77: {  	s28 =	simm.s32 @!p1 $0x2800;
	[sflag:s19] =	ssyncadd.s32 @!p1 $0xFFFFFF80;
	s19 =	simm.s32 @!p1 $0xC  }
0x78: {  	[spmem:s2] =	stream.indirect.scatter.add.f32 @!p1 [tilespmem:s11], [sflag:$0xC], $0x80, s28, s17, $0xb8;
	[tilespmem:$0x1C680] =	vst v63  }
0x79: {  	s12 =	sor.u32 @!p1 s12, s13;
	_ =	swait.ge @!p1 [sflag:s19], $0x1400  }
0x7a: {  	s12 =	sshrl.u32 @!p1 s12, $0x3;
	[sflag:s19] =	ssyncset.done @!p1 $0x0  }
0x7b: {  	s12 =	sadd.s32 @!p1 s5, s12;
	[sflag:s19] =	ssyncadd.s32 @!p1 $0xFFFFEC00  }
0x7c: {  	[tilespmem:s28], [sflag:$0x3] =	stream.linear.gather @!p1 [hbm4b:s12+s16], $0x80, $0x38;
	[tilespmem:$0x1C680] =	vst v63  }
0x7d: {  	s12 =	sadd.s32 @!p1 $0xFFFFFF88, s14  }
0x7e: {  	[tilespmem:s11], [sflag:$0x8] =	stream.indirect.gather @!p1 [hbm4b:s4+s17], $0x80, s12, s17, $0xb8;
	[tilespmem:$0x1C680] =	vst v63  }
0x7f: {  	_ =	swait.ge [sflag:s21], $0x1400  }
0x80: {  	[sflag:s21] =	ssyncset.done $0x0  }
0x81: {  	[sflag:s21] =	ssyncadd.s32 $0xFFFFEC00  }
0x82: {  	_ =	swait.ge [sflag:s23], $0x80  }
0x83: {  	[sflag:s23] =	ssyncset.done $0x0  }
0x84: {  	[sflag:s23] =	ssyncadd.s32 $0xFFFFFF80  }
0x85: {  	[spmem:s2] =	stream.indirect.scatter.add.f32 [tilespmem:s20], [sflag:$0xC], $0x80, s24, s29, $0xb8;
	[tilespmem:$0x1C680] =	vst v63  }
0x86: {  	_ =	swait.ge [sflag:s0], $0x1400  }
0x87: {  	[sflag:s0] =	ssyncset.done $0x0  }
0x88: {  	s11 =	simm.s32 @p1 $0xA;
	[sflag:s0] =	ssyncadd.s32 $0xFFFFEC00  }
0x89: {  	_ =	swait.ge @p1 [sflag:s11], $0x1400  }
0x8a: {  	[sflag:s11] =	ssyncset.done @p1 $0x0  }
0x8b: {  	[sflag:s11] =	ssyncadd.s32 @p1 $0xFFFFEC00;
	s11 =	simm.s32 @p1 $0x5  }
0x8c: {  	_ =	swait.ge @p1 [sflag:s11], $0x80  }
0x8d: {  	[sflag:s11] =	ssyncset.done @p1 $0x0  }
0x8e: {  	s12 =	simm.s32 @p1 $0x6600;
	[sflag:s11] =	ssyncadd.s32 @p1 $0xFFFFFF80;
	s11 =	simm.s32 @p1 $0x2900  }
0x8f: {  	[spmem:s2] =	stream.indirect.scatter.add.f32 @p1 [tilespmem:s12], [sflag:$0xC], $0x80, s11, s7, $0xb8;
	[tilespmem:$0x1C680] =	vst v63  }
0x90: {  	s7 =	sadd.s32 @!p1 $0x380, s15  }
0x91: {  	s11 =	sand.u32 @!p1 $0x1FC00, s7  }
0x92: {  	s7 =	sand.u32 @!p1 $0x380, s7;
	s11 =	sadd.s32 @!p1 s8, s11  }
0x93: {  	_ =	swait.ge @p1 [sflag:s18], $0x1400;
	s7 =	sor.u32 @!p1 s7, s11  }
0x94: {  	[sflag:s18] =	ssyncset.done @p1 $0x0;
	s7 =	sshrl.u32 @!p1 s7, $0x3  }
0x95: {  	[sflag:s18] =	ssyncadd.s32 @p1 $0xFFFFEC00;
	s11 =	simm.s32 @!p1 $0x2880;
	s7 =	sadd.s32 @!p1 s5, s7  }
0x96: {  	[tilespmem:s11], [sflag:$0x4] =	stream.linear.gather @!p1 [hbm4b:s7+s16], $0x80, $0x38;
	[tilespmem:$0x1C680] =	vst v63  }
0x97: {  	s7 =	sadd.s32 @!p1 $0xFFFFFFB0, s14;
	s11 =	simm.s32 @!p1 $0x5200  }
0x98: {  	[tilespmem:s11], [sflag:$0x9] =	stream.indirect.gather @!p1 [hbm4b:s4+s17], $0x80, s7, s17, $0xb8;
	[tilespmem:$0x1C680] =	vst v63  }
0x99: {  	s7 =	simm.s32 @!p1 $0xA  }
0x9a: {  	_ =	swait.ge @!p1 [sflag:s7], $0x1400  }
0x9b: {  	[sflag:s7] =	ssyncset.done @!p1 $0x0  }
0x9c: {  	s12 =	sadd.s32 @!p1 $0x400, s15;
	[sflag:s7] =	ssyncadd.s32 @!p1 $0xFFFFEC00;
	s7 =	simm.s32 @!p1 $0x5  }
0x9d: {  	s12 =	sand.u32 @!p1 $0x1FC00, s12;
	_ =	swait.ge @!p1 [sflag:s7], $0x80  }
0x9e: {  	s13 =	sand.u32 @!p1 $0x380, s15;
	s12 =	sadd.s32 @!p1 s8, s12;
	[sflag:s7] =	ssyncset.done @!p1 $0x0  }
0x9f: {  	s11 =	simm.s32 @!p1 $0x6600;
	[sflag:s7] =	ssyncadd.s32 @!p1 $0xFFFFFF80;
	s7 =	simm.s32 @!p1 $0x2900  }
0xa0: {  	[spmem:s2] =	stream.indirect.scatter.add.f32 @!p1 [tilespmem:s11], [sflag:$0xC], $0x80, s7, s17, $0xb8;
	[tilespmem:$0x1C680] =	vst v63  }
0xa1: {  	s12 =	sor.u32 @!p1 s13, s12;
	_ =	swait.ge @!p1 [sflag:s19], $0x1400  }
0xa2: {  	s12 =	sshrl.u32 @!p1 s12, $0x3;
	[sflag:s19] =	ssyncset.done @!p1 $0x0  }
0xa3: {  	s12 =	sadd.s32 @!p1 s5, s12;
	[sflag:s19] =	ssyncadd.s32 @!p1 $0xFFFFEC00  }
0xa4: {  	[tilespmem:s7], [sflag:$0x5] =	stream.linear.gather @!p1 [hbm4b:s12+s16], $0x80, $0x38;
	[tilespmem:$0x1C680] =	vst v63  }
0xa5: {  	s7 =	sadd.s32 @!p1 $0xFFFFFFD8, s14  }
0xa6: {  	[tilespmem:s11], [sflag:$0xA] =	stream.indirect.gather @!p1 [hbm4b:s4+s17], $0x80, s7, s17, $0xb8;
	[tilespmem:$0x1C680] =	vst v63  }
0xa7: {  	_ =	swait.ge [sflag:s6], $0x1400  }
0xa8: {  	[sflag:s6] =	ssyncset.done $0x0  }
0xa9: {  	[sflag:s6] =	ssyncadd.s32 $0xFFFFEC00  }
0xaa: {  	_ =	swait.ge [sflag:s9], $0x80  }
0xab: {  	[sflag:s9] =	ssyncset.done $0x0  }
.Ltmp2:
0xac: {  	[sflag:s9] =	ssyncadd.s32 $0xFFFFFF80;
	(pc) =	sbr.rel @p1 .LBB2_4-.Ltmp2, $4  }
0xad: {  	[spmem:s2] =	stream.indirect.scatter.add.f32 [tilespmem:s25], [sflag:$0xC], $0x80, s26, s29, $0xb8;
	[tilespmem:$0x1C680] =	vst v63  }
0xae: {  	_ =	swait.ge [sflag:s0], $0x1400  }
0xaf: {  	[sflag:s0] =	ssyncset.done $0x0  }
0xb0: {  	[sflag:s0] =	ssyncadd.s32 $0xFFFFEC00  }
0xb1: {  	s7 =	sadd.s32 $0x480, s15  }
0xb2: {  	s11 =	sand.u32 $0x1FC00, s7  }
0xb3: {  	s7 =	sand.u32 $0x380, s7;
	s11 =	sadd.s32 s8, s11  }
0xb4: {  	s7 =	sor.u32 s7, s11  }
0xb5: {  	s7 =	sshrl.u32 s7, $0x3  }
.Ltmp3:
0xb6: {  	s7 =	sadd.s32 s5, s7;
	(pc) =	sbr.rel .LBB2_2-.Ltmp3, $4  }
0xb7: {  	[tilespmem:s26], [sflag:$0x6] =	stream.linear.gather [hbm4b:s7+s3], $0x80, $0x38;
	[tilespmem:$0x1C680] =	vst v63  }
0xb8: {  	_ = 	snop  }
0xb9: {  	[tilespmem:s25], [sflag:$0xB] =	stream.indirect.gather [hbm4b:s4+s29], $0x80, s14, s29, $0xb8;
	[tilespmem:$0x1C680] =	vst v63  }
0xba: {  	s15 =	sadd.s32 $0x280, s15;
	s14 =	sadd.s32 $0xC8, s14  }
.LBB2_5:
0xbb: {  	_ =	sfence.sel $0x180000  }
0xbc: {  	[bflag:$0x0] =	sbarrier.arrive $0xFFFF  }
0xbd: {  	_ =	strace $0x9000004A  }
0xbe: {  	s0 =	stileid.u32;
	[bflag:$0x2] =	sbarrier.arrive $0xFFFF  }
0xbf: {  	p0 =	sne.s32 s0, $0x0;
	s0 =	rddreg [dreg:$0x3]  }
0xc0: {  	s0 =	sadd.s32 @!p0 $0x100000, s0  }
0xc1: {  	[sflag:s0] =	ssyncadd.tile.s32 @!p0 $0x1;
	_ =	shalt  }
.Lfunc_end2:
_tile_overlayer_lowered:
.L_overlay_start_2:
0xc2: {  	(tag) =	ssettag $0x2  }
0xc3: {  	s0 =	rddreg [dreg:$0x0];
	s2 =	stileid.u32  }
0xc4: {  	s1 =	rddreg [dreg:$0x1];
	p0 =	sne.s32 s2, $0x0  }
0xc5: {  	s3 =	rddreg [dreg:$0x2];
	[bflag:$0x3] =	sbarrier.arrive $0xFFFF;
	s2 =	simm.s32 @!p0 $0x1C0C  }
0xc6: {  	[timem:s3], [sflag:s2] =	dma.local @!p0 [hbm:s0], s1  }
0xc7: {  	s0 =	simm.s32 @!p0 $0xC  }
0xc8: {  	_ =	swait.ge @!p0 [sflag:s0], s1  }
0xc9: {  	s1 =	ssub.s32 @!p0 $0x0, s1;
	[sflag:s0] =	ssyncset.done @!p0 $0x0  }
0xca: {  	[sflag:s0] =	ssyncadd.s32 @!p0 s1  }
0xcb: {  	[bflag:$0x3] =	sbarrier.arrive $0xFFFF  }
0xcc: {  	_ =	shalt  }

// kernel: kernel.7.cloned.1.call-start
scs
__scs_entry_jumppad:
0x0: {  	(pc) =	sbr.rel $0x88, $3  }
0x1: {  	(tag) =	ssettag $0x0;
	lr =	simm.s32 $0x1  }
0x2: {  	[smem:$0x3F90] =	sst lr;
	_ =	strace $0xD0000000  }
0x3: {  	_ = 	snop  }
0x4: {  	_ = 	snop  }
0x5: {  	_ = 	snop  }
0x6: {  	_ = 	snop  }
0x7: {  	_ = 	snop  }
__scs_overlays_trampoline_lowered:
0x8: {  	[smem:$0x3F9F] =	sst s0  }
0x9: {  	[smem:$0x3FA0] =	sst s1  }
0xa: {  	[smem:$0x3FA1] =	sst s2  }
0xb: {  	[smem:$0x3FA2] =	sst s3  }
0xc: {  	[smem:$0x3FA3] =	sst s4  }
0xd: {  	[smem:$0x3FA4] =	sst s5  }
0xe: {  	[smem:$0x3FA5] =	sst s6  }
0xf: {  	[smem:$0x3FA6] =	sst s7  }
0x10: {  	[smem:$0x3FA7] =	sst s8  }
0x11: {  	[smem:$0x3FA8] =	sst s9;
	s0 =	simm.s32 @!p0 $0x0  }
0x12: {  	s1 =	sld [smem:$0x3F8E];
	s0 =	simm.s32 @p0 $0x1  }
0x13: {  	[smem:$0x3FA9] =	sst s0;
	s0 =	simm.s32 @!p1 $0x0  }
0x14: {  	s2 =	sld [smem:$0x3F8D];
	s0 =	simm.s32 @p1 $0x1  }
0x15: {  	[smem:$0x3FAA] =	sst s0;
	s0 =	simm.s32 @!p2 $0x0  }
0x16: {  	s3 =	sld [smem:$0x3FDB];
	s0 =	simm.s32 @p2 $0x1  }
0x17: {  	s4 =	simm.s32 $0x1BF5;
	[smem:$0x3FAC] =	sst s0  }
0x18: {  	s0 =	sld [smem:$0x3F8F];
	_ =	swait.ge [sflag:s4], $0x0  }
0x19: {  	s7 =	sld [smem:$0x3F90]  }
0x1a: {  	s8 =	sadd.s32 $0xFFFFE003, lr  }
0x1b: {  	s9 =	sadd.s32 $0xFFFFFEF7, lr;
	s5 =	simm.s32 $0xFFFFFFFF;
	p2 =	slt.u32 s8, $0xFFFFF086  }
0x1c: {  	p1 =	slt.u32 s9, $0xF7A;
	s5 =	simm.s32 @!p2 $0x0  }
0x1d: {  	s5 =	simm.s32 @p1 $0x1;
	p0 =	seq.s32 s7, s2  }
0x1e: {  	s7 =	smul.u32 @!p0 $0xF7A, s2;
	p2 =	seq.s32 @!p0 s5, $0x0  }
0x1f: {  	s9 =	smul.u32 $0xF7A, s1;
	s8 =	simm.s32 @!p0 $0x1BF5;
	p2 =	por !p2, p0  }
0x20: {  	[sflag:s8] =	ssyncset.s32 @!p0 $0xFFFFF086;
	s6 =	sadd.s32 @!p0 s3, s7;
	s7 =	simm.s32 @!p0 $0x108  }
0x21: {  	s3 =	sadd.s32 s3, s9;
	s6 =	sadd.s32 @!p0 $0x88, s6;
	s7 =	simm.s32 @p2 $0x1082  }
0x22: {  	[simem:s7], [sflag:s8] =	dma.local @!p0 [hbm:s6], $0xF7A  }
0x23: {  	s9 =	sor.u32 $0xD0000000, s2;
	s6 =	simm.s32 $0x108;
	_ =	swait.ge @!p0 [sflag:s8], $0x0  }
0x24: {  	s3 =	sadd.s32 $0x88, s3;
	s6 =	simm.s32 @!p1 $0x1082;
	[sflag:s4] =	ssyncset.s32 $0xFFFFF086  }
0x25: {  	[simem:s6], [sflag:s4] =	dma.local [hbm:s3], $0xF7A  }
0x26: {  	[smem:$0x3F90] =	sst s1;
	(tag) =	ssettag s2;
	_ =	strace s9  }
0x27: {  	s1 =	sld [smem:$0x3FA0]  }
0x28: {  	s2 =	sld [smem:$0x3FA1]  }
0x29: {  	s4 =	sld [smem:$0x3FA3]  }
0x2a: {  	p0 =	seq.s32 s5, $0x0;
	s5 =	sld [smem:$0x3FA4]  }
0x2b: {  	s6 =	sld [smem:$0x3FA5]  }
0x2c: {  	s7 =	sld [smem:$0x3FA6]  }
0x2d: {  	s3 =	simm.s32 $0x108;
	s8 =	sld [smem:$0x3FA7]  }
0x2e: {  	s3 =	simm.s32 @!p0 $0x1082;
	s9 =	sld [smem:$0x3FA8]  }
0x2f: {  	lr =	sadd.s32 s0, s3;
	s0 =	sld [smem:$0x3F9F]  }
0x30: {  	s3 =	sld [smem:$0x3FA2]  }
0x31: {  	[smem:$0x3FAB] =	sst s10  }
0x32: {  	s10 =	sld [smem:$0x3FA9];
	_ =	sdelay $0x3  }
0x33: {  	p0 =	seq.s32 s10, $0x1;
	s10 =	sld [smem:$0x3FAB];
	_ =	sdelay $0x3  }
0x34: {  	[smem:$0x3FAB] =	sst s10  }
0x35: {  	s10 =	sld [smem:$0x3FAA];
	_ =	sdelay $0x3  }
0x36: {  	p1 =	seq.s32 s10, $0x1;
	s10 =	sld [smem:$0x3FAB];
	_ =	sdelay $0x3  }
0x37: {  	[smem:$0x3FAB] =	sst s10  }
0x38: {  	s10 =	sld [smem:$0x3FAC]  }
0x39: {  	_ = 	snop;
	(pc) =	sbr.ind lr, $3  }
0x3a: {  	_ = 	snop  }
0x3b: {  	_ = 	snop  }
0x3c: {  	p2 =	seq.s32 s10, $0x1;
	s10 =	sld [smem:$0x3FAB]  }
0x3d: {  	_ =	shalt  }
0x3e: {  	_ =	shalt  }
0x3f: {  	_ =	shalt  }
0x40: {  	_ =	shalt  }
0x41: {  	_ =	shalt  }
0x42: {  	_ =	shalt  }
0x43: {  	_ =	shalt  }
0x44: {  	_ =	shalt  }
0x45: {  	_ =	shalt  }
0x46: {  	_ =	shalt  }
0x47: {  	_ =	shalt  }
0x48: {  	_ =	shalt  }
0x49: {  	_ =	shalt  }
0x4a: {  	_ =	shalt  }
0x4b: {  	_ =	shalt  }
0x4c: {  	_ =	shalt  }
0x4d: {  	_ =	shalt  }
0x4e: {  	_ =	shalt  }
0x4f: {  	_ =	shalt  }
0x50: {  	_ =	shalt  }
0x51: {  	_ =	shalt  }
0x52: {  	_ =	shalt  }
0x53: {  	_ =	shalt  }
0x54: {  	_ =	shalt  }
0x55: {  	_ =	shalt  }
0x56: {  	_ =	shalt  }
0x57: {  	_ =	shalt  }
0x58: {  	_ =	shalt  }
0x59: {  	_ =	shalt  }
0x5a: {  	_ =	shalt  }
0x5b: {  	_ =	shalt  }
0x5c: {  	_ =	shalt  }
0x5d: {  	_ =	shalt  }
0x5e: {  	_ =	shalt  }
0x5f: {  	_ =	shalt  }
0x60: {  	_ =	shalt  }
0x61: {  	_ =	shalt  }
0x62: {  	_ =	shalt  }
0x63: {  	_ =	shalt  }
0x64: {  	_ =	shalt  }
0x65: {  	_ =	shalt  }
0x66: {  	_ =	shalt  }
0x67: {  	_ =	shalt  }
0x68: {  	_ =	shalt  }
0x69: {  	_ =	shalt  }
0x6a: {  	_ =	shalt  }
0x6b: {  	_ =	shalt  }
0x6c: {  	_ =	shalt  }
0x6d: {  	_ =	shalt  }
0x6e: {  	_ =	shalt  }
0x6f: {  	_ =	shalt  }
0x70: {  	_ =	shalt  }
0x71: {  	_ =	shalt  }
0x72: {  	_ =	shalt  }
0x73: {  	_ =	shalt  }
0x74: {  	_ =	shalt  }
0x75: {  	_ =	shalt  }
0x76: {  	_ =	shalt  }
0x77: {  	_ =	shalt  }
0x78: {  	_ =	shalt  }
0x79: {  	_ =	shalt  }
0x7a: {  	_ =	shalt  }
0x7b: {  	_ =	shalt  }
0x7c: {  	_ =	shalt  }
0x7d: {  	_ =	shalt  }
0x7e: {  	_ =	shalt  }
0x7f: {  	_ =	shalt  }
0x80: {  	_ =	shalt  }
0x81: {  	_ =	shalt  }
0x82: {  	_ =	shalt  }
0x83: {  	_ =	shalt  }
0x84: {  	_ =	shalt  }
0x85: {  	_ =	shalt  }
0x86: {  	_ =	shalt  }
0x87: {  	_ =	shalt  }
.Lfunc_end0:
.L_simem_size_0:
called_computation_lowered:
.L_overlay_start_0:
0x88: {  	s2 =	sld [smem:$0x3FD9]  }
0x89: {  	s3 =	sld [smem:$0x3FFE];
	_ =	sdelay $0x1  }
0x8a: {  	s1 =	srdreg.scid  }
0x8b: {  	s0 =	sand.u32 $0x1, s1  }
0x8c: {  	s14 =	sshll.u32 s0, $0xA;
	s2 =	sadd.s32 s3, s2  }
0x8d: {  	s2 =	sadd.s32 s2, s14  }
0x8e: {  	[smem:$0x3FB7] =	sst s2  }
0x8f: {  	_ = 	snop  }
0x90: {  	s2 =	sld [smem:$0x3FD0];
	_ =	sdelay $0x2  }
0x91: {  	s4 =	simm.s32 $0xA;
	s5 =	simm.s32 $0x10;
	s15 =	sld [smem:$0x3FC9]  }
0x92: {  	[smem:s5], [sflag:s4] =	dma.local [hbm:s2], $0x1  }
0x93: {  	_ =	swait.eq [sflag:s4], $0x1  }
0x94: {  	[sflag:s4] =	ssyncset.done $0x0  }
0x95: {  	[sflag:s4] =	ssyncadd.s32 $0xFFFFFFFF  }
0x96: {  	s16 =	sld [smem:$0x12];
	(tm) =	ssettm $0x1  }
0x97: {  	s17 =	sld [smem:$0x3FFB];
	_ =	sdelay $0x3  }
0x98: {  	_ =	strace s17  }
0x99: {  	s4 =	sld [smem:$0x3FFC];
	_ =	sdelay $0x3  }
0x9a: {  	_ =	strace s4  }
0x9b: {  	s4 =	sld [smem:$0x3FFD];
	_ =	sdelay $0x3  }
0x9c: {  	_ =	strace s4  }
0x9d: {  	_ =	strace $0x8FFFFFFF  }
0x9e: {  	s18 =	sld [smem:$0x3FDB];
	_ =	sdelay $0x1  }
0x9f: {  	s19 =	simm.s32 $_scs_section_size  }
0xa0: {  	s6 =	simm.s32 $_size__tile_overlayer_lowered;
	s7 =	simm.s32 $_tile_overlayer_lowered  }
0xa1: {  	s22 =	simm.s32 $0x1BFF;
	s21 =	sshll.u32 s7, $0x1;
	s4 =	sadd.s32 s19, s18  }
0xa2: {  	s8 =	simm.s32 $0x0;
	s20 =	sshll.u32 s6, $0x1;
	s6 =	sadd.s32 s21, s4  }
0xa3: {  	[timem:s8], [sflag:s22] =	dma.local [hbm:s6], s20  }
0xa4: {  	_ =	swait.ge [sflag:s22], s20  }
0xa5: {  	s5 =	ssub.s32 $0x0, s20;
	[sflag:s22] =	ssyncset.done $0x0  }
0xa6: {  	[sflag:s22] =	ssyncadd.s32 s5;
	_ =	sdelay $0x1  }
0xa7: {  	s23 =	simm.s32 $0x1B8B  }
0xa8: {  	_ =	swait.ge [sflag:s23], $0x1  }
0xa9: {  	[sflag:s23] =	ssyncset.done $0x0  }
0xaa: {  	s25 =	simm.s32 $0x1B8E;
	s24 =	sld [smem:$0x3FFE];
	[sflag:s23] =	ssyncadd.s32 $0xFFFFFFFF  }
0xab: {  	s26 =	simm.s32 $execute0_lowered;
	[smem:$0x3FD2] =	sst s25  }
0xac: {  	s6 =	sshll.u32 s26, $0x1;
	_ =	strace $0x80000046;
	[dreg:$0x1] =	wrdreg $0xFFFFFFFF  }
0xad: {  	s28 =	simm.s32 $_size_execute0_lowered;
	s4 =	sadd.s32 s4, s6;
	[dreg:$0x0] =	wrdreg $0x0  }
0xae: {  	s6 =	sshll.u32 s28, $0x1;
	[dreg:$0x2] =	wrdreg s4  }
0xaf: {  	[dreg:$0x3] =	wrdreg s6  }
0xb0: {  	[dreg:$0x4] =	wrdreg $0xC0  }
0xb1: {  	_ =	task [dreg:s8], $0x5FFFF  }
0xb2: {  	[dreg:$0x1] =	wrdreg $0xFFFFFFFF  }
0xb3: {  	[dreg:$0x0] =	wrdreg $0x60  }
0xb4: {  	[dreg:$0x2] =	wrdreg s15  }
0xb5: {  	[dreg:$0x3] =	wrdreg s24  }
0xb6: {  	[dreg:$0x4] =	wrdreg s16  }
0xb7: {  	[dreg:$0x5] =	wrdreg $0x8E000  }
0xb8: {  	[dreg:$0x6] =	wrdreg $0x9  }
0xb9: {  	_ =	task.clear_ibuf [dreg:s8], $0x7FFFF;
	_ =	strace $0x90000046  }
0xba: {  	s29 =	simm.s32 $0x9;
	_ =	strace $0x80000048  }
0xbb: {  	_ =	swait.ge [sflag:s29], $0x1  }
0xbc: {  	[sflag:s29] =	ssyncadd.s32 $0xFFFFFFFF  }
0xbd: {  	_ =	strace $0x90000048  }
0xbe: {  	_ =	sfence  }
0xbf: {  	s30 =	sld [smem:$0x0];
	_ =	sdelay $0x2  }
0xc0: {  	s31 =	sshll.u32 s1, $0xD;
	s1 =	sshrl.u32 s1, $0x2  }
0xc1: {  	s3 =	sand.u32 $0x4000, s31;
	s1 =	sadd.s32 s1, s30  }
0xc2: {  	s0 =	sor.u32 s3, s0;
	s1 =	sshll.u32 s1, $0x11  }
0xc3: {  	s0 =	sor.u32 s1, s0  }
0xc4: {  	s0 =	sadd.s32 $0x8F2B, s0  }
0xc5: {  	[sflag:s0] =	ssyncadd.remote.s32 $0x1  }
0xc6: {  	_ =	sfence.sel $0xFFFF  }
0xc7: {  	[dreg:$0x0] =	wrdreg $0xFFFFFFFF;
	(pc) =	sbr.abs _section_cstart, $3  }
0xc8: {  	[dreg:$0x1] =	wrdreg $0xFFFFFFFF  }
0xc9: {  	_ =	task.clear_ibuf [dreg:s8], $0x2FFFF;
	_ =	strace $0x9FFFFFFF  }
0xca: {  	(tm) =	ssettm $0x7FFFFFFF  }
0xcb: {  	_ =	shalt  }
tec
execute0_lowered:
.L_overlay_start_1:
0x0: {  	(tag) =	ssettag $0x1  }
0x1: {  	s1 =	rddreg [dreg:$0x0]  }
0x2: {  	s0 =	srdreg.scid;
	s6 =	rddreg [dreg:$0x1]  }
0x3: {  	s12 =	stileid.u32;
	s7 =	rddreg [dreg:$0x2];
	s29 =	simm.s32 $0x28  }
0x4: {  	s30 =	simm.s32 $0x2A00;
	s31 =	simm.s32 $0x7;
	s11 =	smul.u32 $0x4F000, s12  }
0x5: {  	s0 =	sand.u32 $0x1, s0;
	s2 =	sshll.u32 s12, $0x1;
	s19 =	smul.u32 $0x2780, s12  }
0x6: {  	s3 =	sshrl.u32 s12, $0x2;
	s23 =	smul.u32 $0x13C00, s12;
	p0 =	seq.s32 s12, $0xF  }
0x7: {  	s2 =	sor.u32 s0, s2;
	s5 =	smul.u32 $0x13C00, s3;
	s3 =	rddreg [dreg:$0x3]  }
0x8: {  	s9 =	ssub.s32 $0x2, s0;
	s0 =	smul.u32 $0x138800, s0;
	s4 =	sshll.u32 s2, $0x7  }
0x9: {  	s10 =	sshrl.u32 s9, $0x1;
	s18 =	sshll.u32 s2, $0xC;
	s22 =	sshrl.u32 s11, $0x2  }
0xa: {  	s24 =	sadd.s32 s7, s19;
	s26 =	sadd.s32 $0x128400, s3;
	s7 =	sadd.s32 $0x25080, s7  }
0xb: {  	s8 =	sand.u32 $0x380, s4;
	s4 =	simm.s32 $0x0;
	s9 =	ssub.s32 s9, s10  }
0xc: {  	s25 =	sadd.s32 s23, s0;
	s0 =	sshrl.u32 s0, $0x3;
	[smem:$0x7FF] =	sst s4  }
0xd: {  	s23 =	simm.s32 $0x4;
	_ =	strace $0x80000047;
	[dreg:$0xc] =	wrdreg s24  }
0xe: {  	s10 =	simm.s32 $0x0;
	s5 =	sor.u32 s5, s8;
	[dreg:$0xd] =	wrdreg s26  }
0xf: {  	s28 =	smax.u32 s9, $0x1;
	s5 =	sshrl.u32 s5, $0x3;
	[dreg:$0xe] =	wrdreg s7  }
0x10: {  	s9 =	simm.s32 $0x6;
	[dreg:$0x11] =	wrdreg s28;
	s17 =	sadd.s32 s5, s6  }
0x11: {  	s24 =	simm.s32 $0x2880;
	s5 =	sadd.s32 $0x2400, s6;
	s8 =	sadd.s32 $0x22400, s17  }
0x12: {  	s26 =	simm.s32 $0x2980;
	s13 =	sadd.s32 s5, s18;
	[dreg:$0x5] =	wrdreg s8  }
0x13: {  	s6 =	sadd.s32 $0x2C200, s6;
	s20 =	sadd.s32 $0x10, s13;
	[dreg:$0x6] =	wrdreg s13  }
0x14: {  	s0 =	sadd.s32 s6, s0;
	s21 =	sadd.s32 $0x20, s13;
	[dreg:$0x7] =	wrdreg s20  }
0x15: {  	s8 =	sshll.u32 s2, $0xF;
	s14 =	sadd.s32 $0x30, s13;
	[dreg:$0x8] =	wrdreg s21  }
0x16: {  	s13 =	sadd.s32 $0x40, s13;
	s2 =	sadd.s32 s22, s3;
	[dreg:$0x9] =	wrdreg s14  }
.Ltmp0:
0x17: {  	s0 =	sadd.s32 $0x25080, s0;
	[dreg:$0xa] =	wrdreg s13;
	(pc) =	sbr.rel .LBB2_1-.Ltmp0, $4  }
0x18: {  	s22 =	simm.s32 $0x2780;
	[dreg:$0xb] =	wrdreg s2;
	s2 =	sshrl.u32 s25, $0x3  }
0x19: {  	[dreg:$0x10] =	wrdreg s0;
	s20 =	simm.s32 $0x5200;
	s25 =	simm.s32 $0x7A00  }
0x1a: {  	s0 =	simm.s32 $0xC;
	s21 =	simm.s32 $0x9;
	s2 =	sadd.s32 s6, s2  }
0x1b: {  	s6 =	simm.s32 $0xB;
	[dreg:$0xf] =	wrdreg s2;
	s2 =	simm.s32 $0x2  }
.LBB2_4:
0x1c: {  	[bflag:$0x0] =	sbarrier.arrive $0xFFFF  }
0x1d: {  	s11 =	rddreg [dreg:$0x10]  }
0x1e: {  	s7 =	simm.s32 @p0 $0x1FCC;
	s12 =	rddreg [dreg:$0x12]  }
0x1f: {  	[hbm:s11], [sflag:s7] =	dma.local @p0 [spmem:s12], $0x2080  }
0x20: {  	s7 =	simm.s32 @p0 $0xC  }
0x21: {  	_ =	swait.ge @p0 [sflag:s7], $0x2080  }
0x22: {  	s11 =	rddreg [dreg:$0x13]  }
0x23: {  	[sflag:s7] =	ssyncset.done @p0 $0x0;
	s12 =	rddreg [dreg:$0x14]  }
0x24: {  	[sflag:s7] =	ssyncadd.s32 @p0 $0xFFFFDF80;
	s7 =	rddreg [dreg:$0xf]  }
0x25: {  	[hbm:s7], [sflag:s11] =	dma.local @!p0 [spmem:s12], $0x2780  }
0x26: {  	s7 =	simm.s32 @!p0 $0xC  }
0x27: {  	_ =	swait.ge @!p0 [sflag:s7], $0x2780  }
0x28: {  	s10 =	sadd.s32 $0x1, s10;
	s28 =	rddreg [dreg:$0x11]  }
0x29: {  	p1 =	sne.s32 s10, s28  }
.Ltmp1:
0x2a: {  	_ = 	snop;
	(pc) =	sbr.rel @!p1 .LBB2_5-.Ltmp1, $3  }
0x2b: {  	_ =	sdelay $0x1  }
0x2c: {  	[sflag:s7] =	ssyncset.done @!p0 $0x0  }
0x2d: {  	[sflag:s7] =	ssyncadd.s32 @!p0 $0xFFFFD880  }
.LBB2_1:
0x2e: {  	s7 =	rddreg [dreg:$0x5]  }
0x2f: {  	s18 =	rddreg [dreg:$0x6]  }
0x30: {  	s11 =	simm.s32 $0x80;
	s12 =	simm.s32 $0x400;
	s19 =	rddreg [dreg:$0x7]  }
0x31: {  	[tilespmem:s4], [sflag:$0x1] =	stream.strided.gather [hbm4b:s7+s11], $0x2780, s12, s11, $0x38;
	[tilespmem:$0x1C680] =	vst v63  }
0x32: {  	s14 =	rddreg [dreg:$0xa]  }
0x33: {  	[tilespmem:s22], [sflag:$0x2] =	stream.linear.gather [hbm4b:s18+s4], $0x80, $0x38;
	[tilespmem:$0x1C680] =	vst v63  }
0x34: {  	s28 =	simm.s32 $0x2800;
	s11 =	rddreg [dreg:$0x8]  }
0x35: {  	[tilespmem:s28], [sflag:$0x3] =	stream.linear.gather [hbm4b:s19+s4], $0x80, $0x38;
	[tilespmem:$0x1C680] =	vst v63  }
0x36: {  	s12 =	rddreg [dreg:$0x9]  }
0x37: {  	[tilespmem:s24], [sflag:$0x4] =	stream.linear.gather [hbm4b:s11+s4], $0x80, $0x38;
	[tilespmem:$0x1C680] =	vst v63  }
0x38: {  	s13 =	simm.s32 $0x2900;
	s7 =	rddreg [dreg:$0xd]  }
0x39: {  	[tilespmem:s13], [sflag:$0x5] =	stream.linear.gather [hbm4b:s12+s4], $0x80, $0x38;
	[tilespmem:$0x1C680] =	vst v63  }
0x3a: {  	s11 =	rddreg [dreg:$0xe];
	s12 =	sshrl.u32 @p0 s7, $0x3  }
0x3b: {  	s7 =	simm.s32 @p0 $0x1FCC;
	[dreg:$0x12] =	wrdreg s12  }
0x3c: {  	[tilespmem:s26], [sflag:$0x6] =	stream.linear.gather [hbm4b:s14+s4], $0x80, $0x38;
	[tilespmem:$0x1C680] =	vst v63  }
0x3d: {  	[spmem:s12], [sflag:s7] =	dma.local @p0 [hbm:s11], $0x2080  }
0x3e: {  	s7 =	simm.s32 @p0 $0xC  }
0x3f: {  	s11 =	stileid.u32;
	_ =	swait.ge @p0 [sflag:s7], $0x2080  }
0x40: {  	s12 =	sshll.u32 @!p0 s11, $0x6;
	[sflag:s7] =	ssyncset.done @p0 $0x0  }
0x41: {  	s11 =	sor.u32 @!p0 $0x1C0C, s12;
	[sflag:s7] =	ssyncadd.s32 @p0 $0xFFFFDF80;
	s7 =	rddreg [dreg:$0xb]  }
0x42: {  	[dreg:$0x13] =	wrdreg s11  }
0x43: {  	s12 =	sshrl.u32 @!p0 s7, $0x3;
	s7 =	rddreg [dreg:$0xc]  }
0x44: {  	[dreg:$0x14] =	wrdreg s12  }
0x45: {  	[spmem:s12], [sflag:s11] =	dma.local @!p0 [hbm:s7], $0x2780  }
0x46: {  	s7 =	simm.s32 @!p0 $0xC  }
0x47: {  	_ =	swait.ge @!p0 [sflag:s7], $0x2780  }
0x48: {  	[sflag:s7] =	ssyncset.done @!p0 $0x0  }
0x49: {  	s15 =	simm.s32 $0x1;
	[sflag:s7] =	ssyncadd.s32 @!p0 $0xFFFFD880  }
0x4a: {  	_ =	swait.ge [sflag:s15], $0x2780  }
0x4b: {  	[sflag:s15] =	ssyncset.done $0x0  }
0x4c: {  	[sflag:s15] =	ssyncadd.s32 $0xFFFFD880  }
0x4d: {  	[bflag:$0x0] =	sbarrier.arrive $0xFFFF  }
0x4e: {  	[tilespmem:s30], [sflag:$0x7] =	stream.indirect.gather [hbm4b:s1+s29], $0x80, s4, s29, $0xb8;
	[tilespmem:$0x1C680] =	vst v63  }
0x4f: {  	s16 =	simm.s32 $0x3E00  }
0x50: {  	[tilespmem:s16], [sflag:$0x8] =	stream.indirect.gather [hbm4b:s1+s29], $0x80, s29, s29, $0xb8;
	[tilespmem:$0x1C680] =	vst v63  }
0x51: {  	s17 =	simm.s32 $0x50  }
0x52: {  	[tilespmem:s20], [sflag:$0x9] =	stream.indirect.gather [hbm4b:s1+s29], $0x80, s17, s29, $0xb8;
	[tilespmem:$0x1C680] =	vst v63  }
0x53: {  	s18 =	simm.s32 $0x78;
	s19 =	simm.s32 $0x6600  }
0x54: {  	[tilespmem:s19], [sflag:$0xA] =	stream.indirect.gather [hbm4b:s1+s29], $0x80, s18, s29, $0xb8;
	[tilespmem:$0x1C680] =	vst v63  }
0x55: {  	s28 =	simm.s32 $0xA0;
	s14 =	simm.s32 $0x168;
	s15 =	simm.s32 $0x0  }
0x56: {  	[tilespmem:s25], [sflag:$0xB] =	stream.indirect.gather [hbm4b:s1+s29], $0x80, s28, s29, $0xb8;
	[tilespmem:$0x1C680] =	vst v63  }
.LBB2_2:
0x57: {  	_ =	swait.ge [sflag:s31], $0x1400  }
0x58: {  	[sflag:s31] =	ssyncset.done $0x0  }
0x59: {  	[sflag:s31] =	ssyncadd.s32 $0xFFFFEC00  }
0x5a: {  	_ =	swait.ge [sflag:s2], $0x80  }
0x5b: {  	[sflag:s2] =	ssyncset.done $0x0  }
0x5c: {  	[sflag:s2] =	ssyncadd.s32 $0xFFFFFF80  }
0x5d: {  	[spmem:s3] =	stream.indirect.scatter.add.f32 [tilespmem:s30], [sflag:$0xC], $0x80, s22, s29, $0xb8;
	[tilespmem:$0x1C680] =	vst v63  }
0x5e: {  	_ =	swait.ge [sflag:s0], $0x1400  }
0x5f: {  	p1 =	seq.s32 s15, $0x7A80;
	[sflag:s0] =	ssyncset.done $0x0  }
0x60: {  	s7 =	simm.s32 @p1 $0x8;
	[sflag:s0] =	ssyncadd.s32 $0xFFFFEC00  }
0x61: {  	_ =	swait.ge @p1 [sflag:s7], $0x1400  }
0x62: {  	[sflag:s7] =	ssyncset.done @p1 $0x0  }
0x63: {  	[sflag:s7] =	ssyncadd.s32 @p1 $0xFFFFEC00;
	s7 =	simm.s32 @p1 $0x3  }
0x64: {  	_ =	swait.ge @p1 [sflag:s7], $0x80  }
0x65: {  	s16 =	simm.s32 @p1 $0x2800;
	[sflag:s7] =	ssyncset.done @p1 $0x0  }
0x66: {  	s17 =	simm.s32 @p1 $0x3E00;
	[sflag:s7] =	ssyncadd.s32 @p1 $0xFFFFFF80;
	s7 =	simm.s32 @p1 $0x28  }
0x67: {  	[spmem:s3] =	stream.indirect.scatter.add.f32 @p1 [tilespmem:s17], [sflag:$0xC], $0x80, s16, s7, $0xb8;
	[tilespmem:$0x1C680] =	vst v63  }
0x68: {  	s16 =	sadd.s32 @!p1 $0x280, s15  }
0x69: {  	s17 =	sand.u32 @!p1 $0x1FC00, s16  }
0x6a: {  	s18 =	simm.s32 @p1 $0xC;
	s16 =	sand.u32 @!p1 $0x380, s16;
	s17 =	sadd.s32 @!p1 s8, s17  }
0x6b: {  	_ =	swait.ge @p1 [sflag:s18], $0x1400;
	s16 =	sor.u32 @!p1 s16, s17  }
0x6c: {  	s19 =	simm.s32 @!p1 $0x2780;
	[sflag:s18] =	ssyncset.done @p1 $0x0;
	s16 =	sshrl.u32 @!p1 s16, $0x3  }
0x6d: {  	[sflag:s18] =	ssyncadd.s32 @p1 $0xFFFFEC00;
	s17 =	sadd.s32 @!p1 s5, s16;
	s16 =	simm.s32 @!p1 $0x0  }
0x6e: {  	[tilespmem:s19], [sflag:$0x2] =	stream.linear.gather @!p1 [hbm4b:s17+s16], $0x80, $0x38;
	[tilespmem:$0x1C680] =	vst v63  }
0x6f: {  	s28 =	simm.s32 @!p1 $0x2A00;
	s19 =	sadd.s32 @!p1 $0xFFFFFF60, s14;
	s17 =	simm.s32 @!p1 $0x28  }
0x70: {  	[tilespmem:s28], [sflag:$0x7] =	stream.indirect.gather @!p1 [hbm4b:s1+s17], $0x80, s19, s17, $0xb8;
	[tilespmem:$0x1C680] =	vst v63  }
0x71: {  	s19 =	simm.s32 @!p1 $0x8  }
0x72: {  	_ =	swait.ge @!p1 [sflag:s19], $0x1400  }
0x73: {  	[sflag:s19] =	ssyncset.done @!p1 $0x0  }
0x74: {  	s12 =	sadd.s32 @!p1 $0x300, s15;
	[sflag:s19] =	ssyncadd.s32 @!p1 $0xFFFFEC00;
	s19 =	simm.s32 @!p1 $0x3  }
0x75: {  	s11 =	simm.s32 @!p1 $0x3E00;
	s13 =	sand.u32 @!p1 $0x1FC00, s12;
	_ =	swait.ge @!p1 [sflag:s19], $0x80  }
0x76: {  	s12 =	sand.u32 @!p1 $0x380, s12;
	s13 =	sadd.s32 @!p1 s8, s13;
	[sflag:s19] =	ssyncset.done @!p1 $0x0  }
0x77: {  	s28 =	simm.s32 @!p1 $0x2800;
	[sflag:s19] =	ssyncadd.s32 @!p1 $0xFFFFFF80;
	s19 =	simm.s32 @!p1 $0xC  }
0x78: {  	[spmem:s3] =	stream.indirect.scatter.add.f32 @!p1 [tilespmem:s11], [sflag:$0xC], $0x80, s28, s17, $0xb8;
	[tilespmem:$0x1C680] =	vst v63  }
0x79: {  	s12 =	sor.u32 @!p1 s12, s13;
	_ =	swait.ge @!p1 [sflag:s19], $0x1400  }
0x7a: {  	s12 =	sshrl.u32 @!p1 s12, $0x3;
	[sflag:s19] =	ssyncset.done @!p1 $0x0  }
0x7b: {  	s12 =	sadd.s32 @!p1 s5, s12;
	[sflag:s19] =	ssyncadd.s32 @!p1 $0xFFFFEC00  }
0x7c: {  	[tilespmem:s28], [sflag:$0x3] =	stream.linear.gather @!p1 [hbm4b:s12+s16], $0x80, $0x38;
	[tilespmem:$0x1C680] =	vst v63  }
0x7d: {  	s12 =	sadd.s32 @!p1 $0xFFFFFF88, s14  }
0x7e: {  	[tilespmem:s11], [sflag:$0x8] =	stream.indirect.gather @!p1 [hbm4b:s1+s17], $0x80, s12, s17, $0xb8;
	[tilespmem:$0x1C680] =	vst v63  }
0x7f: {  	_ =	swait.ge [sflag:s21], $0x1400  }
0x80: {  	[sflag:s21] =	ssyncset.done $0x0  }
0x81: {  	[sflag:s21] =	ssyncadd.s32 $0xFFFFEC00  }
0x82: {  	_ =	swait.ge [sflag:s23], $0x80  }
0x83: {  	[sflag:s23] =	ssyncset.done $0x0  }
0x84: {  	[sflag:s23] =	ssyncadd.s32 $0xFFFFFF80  }
0x85: {  	[spmem:s3] =	stream.indirect.scatter.add.f32 [tilespmem:s20], [sflag:$0xC], $0x80, s24, s29, $0xb8;
	[tilespmem:$0x1C680] =	vst v63  }
0x86: {  	_ =	swait.ge [sflag:s0], $0x1400  }
0x87: {  	[sflag:s0] =	ssyncset.done $0x0  }
0x88: {  	s11 =	simm.s32 @p1 $0xA;
	[sflag:s0] =	ssyncadd.s32 $0xFFFFEC00  }
0x89: {  	_ =	swait.ge @p1 [sflag:s11], $0x1400  }
0x8a: {  	[sflag:s11] =	ssyncset.done @p1 $0x0  }
0x8b: {  	[sflag:s11] =	ssyncadd.s32 @p1 $0xFFFFEC00;
	s11 =	simm.s32 @p1 $0x5  }
0x8c: {  	_ =	swait.ge @p1 [sflag:s11], $0x80  }
0x8d: {  	[sflag:s11] =	ssyncset.done @p1 $0x0  }
0x8e: {  	s12 =	simm.s32 @p1 $0x6600;
	[sflag:s11] =	ssyncadd.s32 @p1 $0xFFFFFF80;
	s11 =	simm.s32 @p1 $0x2900  }
0x8f: {  	[spmem:s3] =	stream.indirect.scatter.add.f32 @p1 [tilespmem:s12], [sflag:$0xC], $0x80, s11, s7, $0xb8;
	[tilespmem:$0x1C680] =	vst v63  }
0x90: {  	s7 =	sadd.s32 @!p1 $0x380, s15  }
0x91: {  	s11 =	sand.u32 @!p1 $0x1FC00, s7  }
0x92: {  	s7 =	sand.u32 @!p1 $0x380, s7;
	s11 =	sadd.s32 @!p1 s8, s11  }
0x93: {  	_ =	swait.ge @p1 [sflag:s18], $0x1400;
	s7 =	sor.u32 @!p1 s7, s11  }
0x94: {  	[sflag:s18] =	ssyncset.done @p1 $0x0;
	s7 =	sshrl.u32 @!p1 s7, $0x3  }
0x95: {  	[sflag:s18] =	ssyncadd.s32 @p1 $0xFFFFEC00;
	s11 =	simm.s32 @!p1 $0x2880;
	s7 =	sadd.s32 @!p1 s5, s7  }
0x96: {  	[tilespmem:s11], [sflag:$0x4] =	stream.linear.gather @!p1 [hbm4b:s7+s16], $0x80, $0x38;
	[tilespmem:$0x1C680] =	vst v63  }
0x97: {  	s7 =	sadd.s32 @!p1 $0xFFFFFFB0, s14;
	s11 =	simm.s32 @!p1 $0x5200  }
0x98: {  	[tilespmem:s11], [sflag:$0x9] =	stream.indirect.gather @!p1 [hbm4b:s1+s17], $0x80, s7, s17, $0xb8;
	[tilespmem:$0x1C680] =	vst v63  }
0x99: {  	s7 =	simm.s32 @!p1 $0xA  }
0x9a: {  	_ =	swait.ge @!p1 [sflag:s7], $0x1400  }
0x9b: {  	[sflag:s7] =	ssyncset.done @!p1 $0x0  }
0x9c: {  	s12 =	sadd.s32 @!p1 $0x400, s15;
	[sflag:s7] =	ssyncadd.s32 @!p1 $0xFFFFEC00;
	s7 =	simm.s32 @!p1 $0x5  }
0x9d: {  	s12 =	sand.u32 @!p1 $0x1FC00, s12;
	_ =	swait.ge @!p1 [sflag:s7], $0x80  }
0x9e: {  	s13 =	sand.u32 @!p1 $0x380, s15;
	s12 =	sadd.s32 @!p1 s8, s12;
	[sflag:s7] =	ssyncset.done @!p1 $0x0  }
0x9f: {  	s11 =	simm.s32 @!p1 $0x6600;
	[sflag:s7] =	ssyncadd.s32 @!p1 $0xFFFFFF80;
	s7 =	simm.s32 @!p1 $0x2900  }
0xa0: {  	[spmem:s3] =	stream.indirect.scatter.add.f32 @!p1 [tilespmem:s11], [sflag:$0xC], $0x80, s7, s17, $0xb8;
	[tilespmem:$0x1C680] =	vst v63  }
0xa1: {  	s12 =	sor.u32 @!p1 s13, s12;
	_ =	swait.ge @!p1 [sflag:s19], $0x1400  }
0xa2: {  	s12 =	sshrl.u32 @!p1 s12, $0x3;
	[sflag:s19] =	ssyncset.done @!p1 $0x0  }
0xa3: {  	s12 =	sadd.s32 @!p1 s5, s12;
	[sflag:s19] =	ssyncadd.s32 @!p1 $0xFFFFEC00  }
0xa4: {  	[tilespmem:s7], [sflag:$0x5] =	stream.linear.gather @!p1 [hbm4b:s12+s16], $0x80, $0x38;
	[tilespmem:$0x1C680] =	vst v63  }
0xa5: {  	s7 =	sadd.s32 @!p1 $0xFFFFFFD8, s14  }
0xa6: {  	[tilespmem:s11], [sflag:$0xA] =	stream.indirect.gather @!p1 [hbm4b:s1+s17], $0x80, s7, s17, $0xb8;
	[tilespmem:$0x1C680] =	vst v63  }
0xa7: {  	_ =	swait.ge [sflag:s6], $0x1400  }
0xa8: {  	[sflag:s6] =	ssyncset.done $0x0  }
0xa9: {  	[sflag:s6] =	ssyncadd.s32 $0xFFFFEC00  }
0xaa: {  	_ =	swait.ge [sflag:s9], $0x80  }
0xab: {  	[sflag:s9] =	ssyncset.done $0x0  }
.Ltmp2:
0xac: {  	[sflag:s9] =	ssyncadd.s32 $0xFFFFFF80;
	(pc) =	sbr.rel @p1 .LBB2_4-.Ltmp2, $4  }
0xad: {  	[spmem:s3] =	stream.indirect.scatter.add.f32 [tilespmem:s25], [sflag:$0xC], $0x80, s26, s29, $0xb8;
	[tilespmem:$0x1C680] =	vst v63  }
0xae: {  	_ =	swait.ge [sflag:s0], $0x1400  }
0xaf: {  	[sflag:s0] =	ssyncset.done $0x0  }
0xb0: {  	[sflag:s0] =	ssyncadd.s32 $0xFFFFEC00  }
0xb1: {  	s7 =	sadd.s32 $0x480, s15  }
0xb2: {  	s11 =	sand.u32 $0x1FC00, s7  }
0xb3: {  	s7 =	sand.u32 $0x380, s7;
	s11 =	sadd.s32 s8, s11  }
0xb4: {  	s7 =	sor.u32 s7, s11  }
0xb5: {  	s7 =	sshrl.u32 s7, $0x3  }
.Ltmp3:
0xb6: {  	s7 =	sadd.s32 s5, s7;
	(pc) =	sbr.rel .LBB2_2-.Ltmp3, $4  }
0xb7: {  	[tilespmem:s26], [sflag:$0x6] =	stream.linear.gather [hbm4b:s7+s4], $0x80, $0x38;
	[tilespmem:$0x1C680] =	vst v63  }
0xb8: {  	_ = 	snop  }
0xb9: {  	[tilespmem:s25], [sflag:$0xB] =	stream.indirect.gather [hbm4b:s1+s29], $0x80, s14, s29, $0xb8;
	[tilespmem:$0x1C680] =	vst v63  }
0xba: {  	s15 =	sadd.s32 $0x280, s15;
	s14 =	sadd.s32 $0xC8, s14  }
.LBB2_5:
0xbb: {  	_ =	sfence.sel $0x180000  }
0xbc: {  	[bflag:$0x0] =	sbarrier.arrive $0xFFFF  }
0xbd: {  	_ =	strace $0x90000047  }
0xbe: {  	s0 =	stileid.u32;
	[bflag:$0x2] =	sbarrier.arrive $0xFFFF  }
0xbf: {  	p0 =	sne.s32 s0, $0x0;
	s0 =	rddreg [dreg:$0x4]  }
0xc0: {  	s0 =	sadd.s32 @!p0 $0x100000, s0  }
0xc1: {  	[sflag:s0] =	ssyncadd.tile.s32 @!p0 $0x1;
	_ =	shalt  }
.Lfunc_end2:
_tile_overlayer_lowered:
.L_overlay_start_2:
0xc2: {  	(tag) =	ssettag $0x2  }
0xc3: {  	s0 =	rddreg [dreg:$0x0];
	s2 =	stileid.u32  }
0xc4: {  	s1 =	rddreg [dreg:$0x1];
	p0 =	sne.s32 s2, $0x0  }
0xc5: {  	s3 =	rddreg [dreg:$0x2];
	[bflag:$0x3] =	sbarrier.arrive $0xFFFF;
	s2 =	simm.s32 @!p0 $0x1C0C  }
0xc6: {  	[timem:s3], [sflag:s2] =	dma.local @!p0 [hbm:s0], s1  }
0xc7: {  	s0 =	simm.s32 @!p0 $0xC  }
0xc8: {  	_ =	swait.ge @!p0 [sflag:s0], s1  }
0xc9: {  	s1 =	ssub.s32 @!p0 $0x0, s1;
	[sflag:s0] =	ssyncset.done @!p0 $0x0  }
0xca: {  	[sflag:s0] =	ssyncadd.s32 @!p0 s1  }
0xcb: {  	[bflag:$0x3] =	sbarrier.arrive $0xFFFF  }
0xcc: {  	_ =	shalt  }

</sc_bundles>
